<compile_context>
chip_gen: v7x
topology: tpu7x:2x2x1
jax: 0.10.2.dev20260603
libtpu: 0.0.44.dev20260713+nightly
codegen_flags: <defaults>
</compile_context>

<pallas_src>
import dataclasses
import functools

import jax
import jax.numpy as jnp
from jax import lax
from jax.experimental import pallas as pl
from jax.experimental.pallas import tpu as pltpu
from jax.experimental.pallas import tpu_sc as plsc

N = 10000
D = 128
E = 320000

NC = 2
NS = 16
NW = NC * NS
K = 80
NCHUNK = 125
EPT = NCHUNK * K
EPAD = NW * EPT
N_ACC = N
TRASH = N
RPT = 624
RLAST = N - 15 * RPT

_mesh = plsc.VectorSubcoreMesh(core_axis_name="c", subcore_axis_name="s")


EPT_DEG = E // NW
DCH = 2000

_no_layout_cp = pltpu.CompilerParams()
if "needs_layout_passes" in pltpu.CompilerParams.__dataclass_fields__:
    _no_layout_cp = dataclasses.replace(_no_layout_cp, needs_layout_passes=False)


@functools.partial(
    pl.kernel,
    out_type=jax.ShapeDtypeStruct((NW, N), jnp.float32),
    mesh=_mesh,
    scratch_types=[
        pltpu.VMEM((DCH,), jnp.int32),
        pltpu.VMEM((N,), jnp.float32),
    ],
    compiler_params=_no_layout_cp,
)
def _deg_kernel(dst_hbm, out_hbm, dst_v, cnt_v):
    c = lax.axis_index("c")
    s = lax.axis_index("s")
    wid = s * NC + c
    ones = jnp.ones((16,), jnp.float32)

    @pl.loop(0, N // 16)
    def _zero(j):
        cnt_v[pl.ds(j * 16, 16)] = jnp.zeros((16,), jnp.float32)

    @pl.loop(0, EPT_DEG // DCH)
    def _outer(ic):
        pltpu.sync_copy(dst_hbm.at[pl.ds(wid * EPT_DEG + ic * DCH, DCH)], dst_v)

        @pl.loop(0, DCH // 16)
        def _count(j):
            idx = dst_v[pl.ds(j * 16, 16)]
            plsc.addupdate_scatter(cnt_v, [idx], ones)

    pltpu.sync_copy(cnt_v, out_hbm.at[wid])


@functools.partial(
    pl.kernel,
    out_type=jax.ShapeDtypeStruct((NC, N, D), jnp.float32),
    mesh=_mesh,
    scratch_types=[
        pltpu.VMEM((EPT,), jnp.int32),
        pltpu.VMEM((NCHUNK, K), jnp.int32),
        pltpu.VMEM((K, D), jnp.float32),
        pltpu.VMEM((K, D), jnp.float32),
        pltpu.VMEM_SHARED((N_ACC, D), jnp.float32),
        pltpu.SemaphoreType.DMA,
        pltpu.SemaphoreType.DMA,
        pltpu.SemaphoreType.DMA,
        pltpu.SemaphoreType.DMA,
    ],
)
def _agg_kernel(y_hbm, src_hbm, dst_hbm, out_hbm,
                src_v, dst_v, rows0_v, rows1_v, acc_sh,
                sem0, sem1, ssem0, ssem1):
    c = lax.axis_index("c")
    s = lax.axis_index("s")
    wid = s * NC + c

    pltpu.async_copy(src_hbm.at[pl.ds(wid * EPT, EPT)], src_v, sem0)
    pltpu.async_copy(dst_hbm.at[wid], dst_v, sem1)

    @pl.loop(0, K)
    def _fill_zeros(r):
        @pl.loop(0, D // 16)
        def _fill_cols(c0):
            rows0_v[r, pl.ds(c0 * 16, 16)] = jnp.zeros((16,), jnp.float32)

    @pl.loop(0, RPT // K)
    def _zero_acc(j):
        pltpu.sync_copy(rows0_v, acc_sh.at[pl.ds(s * RPT + j * K, K)])

    @pl.when(s < NS - 1)
    def _zero_tail():
        pltpu.sync_copy(rows0_v.at[pl.ds(0, RPT - (RPT // K) * K)],
                        acc_sh.at[pl.ds(s * RPT + (RPT // K) * K,
                                        RPT - (RPT // K) * K)])

    @pl.when(s == NS - 1)
    def _zero_tail_last():
        pltpu.sync_copy(rows0_v, acc_sh.at[pl.ds(15 * RPT + (RPT // K) * K, K)])

    pltpu.make_async_copy(src_hbm.at[pl.ds(wid * EPT, EPT)], src_v, sem0).wait()
    pltpu.make_async_copy(dst_hbm.at[wid], dst_v, sem1).wait()
    plsc.subcore_barrier()

    def _gather(i, buf, sem):
        return pltpu.async_copy(y_hbm.at[src_v.at[pl.ds(i * K, K)]], buf, sem)

    def _gwait(i, buf, sem):
        pltpu.make_async_copy(y_hbm.at[src_v.at[pl.ds(i * K, K)]],
                              buf, sem).wait()

    def _sstart(i, buf, sem):
        pltpu.async_copy(buf, acc_sh.at[dst_v.at[i]], sem, add=True)

    def _swait(i, buf, sem):
        pltpu.make_async_copy(buf, acc_sh.at[dst_v.at[i]], sem).wait()

    _gather(0, rows0_v, sem0)
    _gather(1, rows1_v, sem1)

    @pl.loop(0, (NCHUNK + 1) // 2)
    def _aggregate(it):
        i = it * 2
        _gwait(i, rows0_v, sem0)
        _sstart(i, rows0_v, ssem0)

        @pl.when(i + 1 < NCHUNK)
        def _odd_drain():
            _gwait(i + 1, rows1_v, sem1)
            _sstart(i + 1, rows1_v, ssem1)

        _swait(i, rows0_v, ssem0)

        @pl.when(i + 2 < NCHUNK)
        def _next_even():
            _gather(i + 2, rows0_v, sem0)

        @pl.when(i + 1 < NCHUNK)
        def _odd_done():
            _swait(i + 1, rows1_v, ssem1)

            @pl.when(i + 3 < NCHUNK)
            def _next_odd():
                _gather(i + 3, rows1_v, sem1)

    plsc.subcore_barrier()

    @pl.when(s < NS - 1)
    def _out_main():
        pltpu.sync_copy(acc_sh.at[pl.ds(s * RPT, RPT)],
                        out_hbm.at[c, pl.ds(s * RPT, RPT)])

    @pl.when(s == NS - 1)
    def _out_last():
        pltpu.sync_copy(acc_sh.at[pl.ds(15 * RPT, RLAST)],
                        out_hbm.at[c, pl.ds(15 * RPT, RLAST)])


_BLK = 2000


def _rsqrt_deg(degt_ref):
    return lax.rsqrt(1.0 + jnp.sum(degt_ref[...], axis=1, keepdims=True))


def _tca_body(x_ref, w_ref, xw_ref):
    xw_ref[...] = jnp.dot(x_ref[...], w_ref[...],
                          preferred_element_type=jnp.float32)


def _tc1b_body(degt_ref, xw_ref, y_ref):
    y_ref[...] = xw_ref[...] * _rsqrt_deg(degt_ref)


def _tc2_body(degt_ref, aggp_ref, y1_ref, w_ref, b1_ref, y2_ref):
    d = _rsqrt_deg(degt_ref)
    pre = d * (aggp_ref[0] + aggp_ref[1] + y1_ref[...]) + b1_ref[...]
    h = jnp.maximum(pre, 0.0)
    hw = jnp.dot(h, w_ref[...], preferred_element_type=jnp.float32)
    y2_ref[...] = hw * d


def _tc3_body(degt_ref, aggp_ref, y2_ref, b2_ref, o_ref):
    d = _rsqrt_deg(degt_ref)
    o_ref[...] = (d * (aggp_ref[0] + aggp_ref[1] + y2_ref[...])
                  + b2_ref[...])


def _row_spec():
    return pl.BlockSpec((_BLK, D), lambda i: (i, 0))


def _degt_spec():
    return pl.BlockSpec((_BLK, NW), lambda i: (i, 0))


def _tca(x, W1):
    return pl.pallas_call(
        _tca_body,
        grid=(N // _BLK,),
        in_specs=[_row_spec(), pl.BlockSpec((D, D), lambda i: (0, 0))],
        out_specs=_row_spec(),
        out_shape=jax.ShapeDtypeStruct((N, D), jnp.float32),
    )(x, W1)


def _tc1b(degt, xw):
    return pl.pallas_call(
        _tc1b_body,
        grid=(N // _BLK,),
        in_specs=[_degt_spec(), _row_spec()],
        out_specs=_row_spec(),
        out_shape=jax.ShapeDtypeStruct((N, D), jnp.float32),
    )(degt, xw)


def _tc2(degt, aggp, y1, W2, b1):
    return pl.pallas_call(
        _tc2_body,
        grid=(N // _BLK,),
        in_specs=[
            _degt_spec(),
            pl.BlockSpec((NC, _BLK, D), lambda i: (0, i, 0)),
            _row_spec(),
            pl.BlockSpec((D, D), lambda i: (0, 0)),
            pl.BlockSpec((1, D), lambda i: (0, 0)),
        ],
        out_specs=_row_spec(),
        out_shape=jax.ShapeDtypeStruct((N, D), jnp.float32),
    )(degt, aggp, y1, W2, b1)


def _tc3(degt, aggp, y2, b2):
    return pl.pallas_call(
        _tc3_body,
        grid=(N // _BLK,),
        in_specs=[
            _degt_spec(),
            pl.BlockSpec((NC, _BLK, D), lambda i: (0, i, 0)),
            _row_spec(),
            pl.BlockSpec((1, D), lambda i: (0, 0)),
        ],
        out_specs=_row_spec(),
        out_shape=jax.ShapeDtypeStruct((N, D), jnp.float32),
    )(degt, aggp, y2, b2)


def kernel(x, edge_index, W1, b1, W2, b2):
    src = edge_index[0].astype(jnp.int32)
    dst = edge_index[1].astype(jnp.int32)
    pad = EPAD - E
    if pad:
        src_p = jnp.concatenate([src, jnp.zeros((pad,), jnp.int32)])
        dst_p = jnp.concatenate([dst, jnp.full((pad,), TRASH, jnp.int32)])
    else:
        src_p, dst_p = src, dst
    dst3 = dst_p.reshape(NW, NCHUNK, K)
    degp = _deg_kernel(dst)
    xw = _tca(x, W1)
    degt = degp.T
    y1 = _tc1b(degt, xw)
    aggp1 = _agg_kernel(y1, src_p, dst3)
    y2 = _tc2(degt, aggp1, y1, W2, b1.reshape(1, D))
    aggp2 = _agg_kernel(y2, src_p, dst3)
    return _tc3(degt, aggp2, y2, b2.reshape(1, D))

# --- scband reference (transcript-rebuilt; emitter-appended) ---
"""Pipeline reference for scband-gcn-74148315398313 (READ-ONLY COPY).

The authoritative reference and input builder live on the scoring server;
editing this copy changes nothing except your own understanding.
"""

import jax, jax.numpy as jnp
import numpy as np

N = 10000
D_IN = 128
D_HID = 128
D_OUT = 128
E = 320000


def setup_inputs(seed: int = 0) -> dict:
    key = jax.random.key(seed)
    k1, k2, k3, k4, k5, k6 = jax.random.split(key, 6)
    x = jax.random.normal(k1, (N, D_IN), dtype=jnp.float32)
    edge_index = jax.random.randint(k2, (2, E), 0, N, dtype=jnp.int64)
    s1 = 1.0 / np.sqrt(D_IN)
    s2 = 1.0 / np.sqrt(D_HID)
    W1 = jax.random.uniform(k3, (D_IN, D_HID), dtype=jnp.float32, minval=-s1, maxval=s1)
    b1 = jnp.zeros((D_HID,), dtype=jnp.float32)
    W2 = jax.random.uniform(k4, (D_HID, D_OUT), dtype=jnp.float32, minval=-s2, maxval=s2)
    b2 = jnp.zeros((D_OUT,), dtype=jnp.float32)
    return {"x": x, "edge_index": edge_index, "W1": W1, "b1": b1, "W2": W2, "b2": b2}


def _gcn_conv(x, src, dst, W, b, n_nodes):
    # symmetric normalization with self-loops (PyG GCNConv default)
    loop = jnp.arange(n_nodes, dtype=src.dtype)
    src_f = jnp.concatenate([src, loop])
    dst_f = jnp.concatenate([dst, loop])
    ones = jnp.ones(src_f.shape[0], dtype=x.dtype)
    deg = jnp.zeros((n_nodes,), dtype=x.dtype).at[dst_f].add(ones)
    deg_inv_sqrt = jnp.where(deg > 0, 1.0 / jnp.sqrt(deg), 0.0)
    norm = deg_inv_sqrt[src_f] * deg_inv_sqrt[dst_f]
    xw = x @ W
    msg = xw[src_f] * norm[:, None]
    out = jnp.zeros((n_nodes, W.shape[1]), dtype=x.dtype).at[dst_f].add(msg)
    return out + b


def reference(x, edge_index, W1, b1, W2, b2):
    n_nodes = x.shape[0]
    src = edge_index[0]
    dst = edge_index[1]
    h = _gcn_conv(x, src, dst, W1, b1, n_nodes)
    h = jax.nn.relu(h)
    out = _gcn_conv(h, src, dst, W2, b2, n_nodes)
    return out

if __name__ == "__main__":
    import jax
    _d = setup_inputs()
    print(jax.jit(kernel)(*tuple(_d.values())))

</pallas_src>

<mosaic_0001>
#map = affine_map<(d0, d1) -> (0, 0)>
#map1 = affine_map<(d0, d1) -> (0)>
#map2 = affine_map<(d0, d1) -> (0, 0, 0)>
module attributes {stable_mosaic.version = 14 : i64} {
  func.func @_agg_kernel(%arg0: i32, %arg1: i32, %arg2: memref<10000x128xf32, #tpu.memory_space<hbm>>, %arg3: memref<320000xi32, #tpu.memory_space<hbm>>, %arg4: memref<32x125x80xi32, #tpu.memory_space<hbm>>, %arg5: memref<2x10000x128xf32, #tpu.memory_space<hbm>>, %arg6: memref<10000xi32, #tpu.memory_space<vmem>>, %arg7: memref<125x80xi32, #tpu.memory_space<vmem>>, %arg8: memref<80x128xf32, #tpu.memory_space<vmem>>, %arg9: memref<80x128xf32, #tpu.memory_space<vmem>>, %arg10: memref<10000x128xf32, #tpu.memory_space<vmem_shared>>, %arg11: memref<!tpu.dma_semaphore, #tpu.memory_space<semaphore_mem>>, %arg12: memref<!tpu.dma_semaphore, #tpu.memory_space<semaphore_mem>>, %arg13: memref<!tpu.dma_semaphore, #tpu.memory_space<semaphore_mem>>, %arg14: memref<!tpu.dma_semaphore, #tpu.memory_space<semaphore_mem>>) attributes {dimension_semantics = [#tpu.dimension_semantics<core_parallel>, #tpu.dimension_semantics<subcore_parallel>], iteration_bounds = array<i64: 2, 16>, scalar_prefetch = 0 : i64, scratch_operands = 9 : i64, tpu.core_type = #tpu.core_type<sc_vector_subcore>, window_params = [{transform_indices = #map}, {transform_indices = #map1}, {transform_indices = #map2}, {transform_indices = #map2}]} {
    %mul3A = arith.constant 2 : i32
    %mul3A_0 = arith.muli %arg1, %mul3A : i32
    %add3A = arith.addi %mul3A_0, %arg0 : i32
    %mul3A_1 = arith.constant 10000 : i32
    %mul3A_2 = arith.muli %add3A, %mul3A_1 : i32
    %dma_start3A = tpu.memref_slice %arg3[%mul3A_2] : memref<320000xi32, #tpu.memory_space<hbm>> -> memref<10000xi32, #tpu.memory_space<hbm>>
    %dma_start3A_3 = tpu.memref_slice %arg3[%mul3A_2] : memref<320000xi32, #tpu.memory_space<hbm>> -> memref<10000xi32, #tpu.memory_space<hbm>>
    tpu.enqueue_dma source(%dma_start3A_3 : memref<10000xi32, #tpu.memory_space<hbm>>) target(%arg6 : memref<10000xi32, #tpu.memory_space<vmem>>) target_semaphore(%arg11 : memref<!tpu.dma_semaphore, #tpu.memory_space<semaphore_mem>>)
    %dma_start3A_4 = arith.constant 0 : i32
    %dma_start3A_5 = arith.constant 0 : i32
    %dma_start3A_6 = tpu.memref_slice %arg4[%add3A, %dma_start3A_4, %dma_start3A_5] : memref<32x125x80xi32, #tpu.memory_space<hbm>> -> memref<1x125x80xi32, #tpu.memory_space<hbm>>
    %dma_start3A_7 = tpu.memref_squeeze %dma_start3A_6 : memref<1x125x80xi32, #tpu.memory_space<hbm>> -> memref<125x80xi32, #tpu.memory_space<hbm>>
    %dma_start3A_8 = arith.constant 0 : i32
    %dma_start3A_9 = arith.constant 0 : i32
    %dma_start3A_10 = tpu.memref_slice %arg4[%add3A, %dma_start3A_8, %dma_start3A_9] : memref<32x125x80xi32, #tpu.memory_space<hbm>> -> memref<1x125x80xi32, #tpu.memory_space<hbm>>
    %dma_start3A_11 = tpu.memref_squeeze %dma_start3A_10 : memref<1x125x80xi32, #tpu.memory_space<hbm>> -> memref<125x80xi32, #tpu.memory_space<hbm>>
    tpu.enqueue_dma source(%dma_start3A_11 : memref<125x80xi32, #tpu.memory_space<hbm>>) target(%arg7 : memref<125x80xi32, #tpu.memory_space<vmem>>) target_semaphore(%arg12 : memref<!tpu.dma_semaphore, #tpu.memory_space<semaphore_mem>>)
    %scan3A = arith.constant 0 : i32
    %scan3A_12 = arith.constant 80 : i32
    %scan3A_13 = arith.addi %scan3A, %scan3A_12 : i32
    %scan3A_14 = arith.constant 1 : i32
    scf.for %scan3A_64 = %scan3A to %scan3A_13 step %scan3A_14  : i32 {
      %mul3A_65 = arith.constant 1 : i32
      %mul3A_66 = arith.muli %scan3A_64, %mul3A_65 : i32
      %add3A_67 = arith.constant 0 : i32
      %add3A_68 = arith.addi %add3A_67, %mul3A_66 : i32
      %scan3A_69 = arith.constant 0 : i32
      %scan3A_70 = arith.constant 8 : i32
      %scan3A_71 = arith.addi %scan3A_69, %scan3A_70 : i32
      %scan3A_72 = arith.constant 1 : i32
      scf.for %scan3A_74 = %scan3A_69 to %scan3A_71 step %scan3A_72  : i32 {
        %mul3A_75 = arith.constant 1 : i32
        %mul3A_76 = arith.muli %scan3A_74, %mul3A_75 : i32
        %add3A_77 = arith.constant 0 : i32
        %add3A_78 = arith.addi %add3A_77, %mul3A_76 : i32
        %broadcast_in_dim3A = arith.constant 0.000000e+00 : f32
        %broadcast_in_dim3A_79 = vector.broadcast %broadcast_in_dim3A : f32 to vector<16xf32>
        %mul3A_80 = arith.constant 16 : i32
        %mul3A_81 = arith.muli %add3A_78, %mul3A_80 : i32
        %swap3A = arith.index_cast %add3A_68 : i32 to index
        %swap3A_82 = arith.index_cast %mul3A_81 : i32 to index
        %swap3A_83 = tpu.vector_load %arg8[%swap3A, %swap3A_82] {strides = array<i32>} : memref<80x128xf32, #tpu.memory_space<vmem>>, vector<1x16xf32>,
        %swap3A_84 = vector.shape_cast %swap3A_83 : vector<1x16xf32> to vector<16xf32>
        %swap3A_85 = vector.shape_cast %broadcast_in_dim3A_79 : vector<16xf32> to vector<1x16xf32>
        tpu.vector_store %arg8[%swap3A, %swap3A_82], %swap3A_85 {strides = array<i32>} : memref<80x128xf32, #tpu.memory_space<vmem>>, vector<1x16xf32>,
      }
      %scan3A_73 = arith.constant 8 : i32
    }
    %scan3A_15 = arith.constant 80 : i32
    %scan3A_16 = arith.constant 0 : i32
    %scan3A_17 = arith.constant 7 : i32
    %scan3A_18 = arith.addi %scan3A_16, %scan3A_17 : i32
    %scan3A_19 = arith.constant 1 : i32
    scf.for %scan3A_64 = %scan3A_16 to %scan3A_18 step %scan3A_19  : i32 {
      %mul3A_65 = arith.constant 1 : i32
      %mul3A_66 = arith.muli %scan3A_64, %mul3A_65 : i32
      %add3A_67 = arith.constant 0 : i32
      %add3A_68 = arith.addi %add3A_67, %mul3A_66 : i32
      %mul3A_69 = arith.constant 624 : i32
      %mul3A_70 = arith.muli %arg1, %mul3A_69 : i32
      %mul3A_71 = arith.constant 80 : i32
      %mul3A_72 = arith.muli %add3A_68, %mul3A_71 : i32
      %add3A_73 = arith.addi %mul3A_70, %mul3A_72 : i32
      "tpu.region"() ({
        %run_scoped3A = tpu.sem_alloc : memref<!tpu.dma_semaphore, #tpu.memory_space<semaphore_mem>>
        %dma_start3A_74 = arith.constant 0 : i32
        %dma_start3A_75 = tpu.memref_slice %arg10[%add3A_73, %dma_start3A_74] : memref<10000x128xf32, #tpu.memory_space<vmem_shared>> -> memref<80x128xf32, #tpu.memory_space<vmem_shared>>
        %dma_start3A_76 = arith.constant 0 : i32
        %dma_start3A_77 = tpu.memref_slice %arg10[%add3A_73, %dma_start3A_76] : memref<10000x128xf32, #tpu.memory_space<vmem_shared>> -> memref<80x128xf32, #tpu.memory_space<vmem_shared>>
        tpu.enqueue_dma source(%arg8 : memref<80x128xf32, #tpu.memory_space<vmem>>) target(%dma_start3A_77 : memref<80x128xf32, #tpu.memory_space<vmem_shared>>) target_semaphore(%run_scoped3A : memref<!tpu.dma_semaphore, #tpu.memory_space<semaphore_mem>>)
        %dma_wait3A_78 = arith.constant 0 : i32
        %dma_wait3A_79 = tpu.memref_slice %arg10[%add3A_73, %dma_wait3A_78] : memref<10000x128xf32, #tpu.memory_space<vmem_shared>> -> memref<80x128xf32, #tpu.memory_space<vmem_shared>>
        %dma_wait3A_80 = arith.constant 0 : i32
        %dma_wait3A_81 = tpu.memref_slice %arg10[%add3A_73, %dma_wait3A_80] : memref<10000x128xf32, #tpu.memory_space<vmem_shared>> -> memref<80x128xf32, #tpu.memory_space<vmem_shared>>
        tpu.wait_dma2 semaphore(%run_scoped3A : memref<!tpu.dma_semaphore, #tpu.memory_space<semaphore_mem>>) src(%arg8 : memref<80x128xf32, #tpu.memory_space<vmem>>) dst(%dma_wait3A_81 : memref<80x128xf32, #tpu.memory_space<vmem_shared>>)
        tpu.yield
      }) : () -> ()
    }
    %scan3A_20 = arith.constant 7 : i32
    %lt3A = arith.constant 15 : i32
    %lt3A_21 = arith.cmpi slt, %arg1, %lt3A : i32
    %convert_element_type3A = arith.extui %lt3A_21 : i1 to i32
    %cond3A = arith.constant 0 : i32
    %cond3A_22 = arith.cmpi ne, %convert_element_type3A, %cond3A : i32
    scf.if %cond3A_22 {
      %mul3A_64 = arith.constant 624 : i32
      %mul3A_65 = arith.muli %arg1, %mul3A_64 : i32
      %add3A_66 = arith.constant 560 : i32
      %add3A_67 = arith.addi %mul3A_65, %add3A_66 : i32
      "tpu.region"() ({
        %run_scoped3A = tpu.sem_alloc : memref<!tpu.dma_semaphore, #tpu.memory_space<semaphore_mem>>
        %dma_start3A_68 = arith.constant 0 : i32
        %dma_start3A_69 = arith.constant 0 : i32
        %dma_start3A_70 = tpu.memref_slice %arg8[%dma_start3A_68, %dma_start3A_69] : memref<80x128xf32, #tpu.memory_space<vmem>> -> memref<64x128xf32, #tpu.memory_space<vmem>>
        %dma_start3A_71 = arith.constant 0 : i32
        %dma_start3A_72 = tpu.memref_slice %arg10[%add3A_67, %dma_start3A_71] : memref<10000x128xf32, #tpu.memory_space<vmem_shared>> -> memref<64x128xf32, #tpu.memory_space<vmem_shared>>
        %dma_start3A_73 = arith.constant 0 : i32
        %dma_start3A_74 = tpu.memref_slice %arg10[%add3A_67, %dma_start3A_73] : memref<10000x128xf32, #tpu.memory_space<vmem_shared>> -> memref<64x128xf32, #tpu.memory_space<vmem_shared>>
        %dma_start3A_75 = arith.constant 0 : i32
        %dma_start3A_76 = arith.constant 0 : i32
        %dma_start3A_77 = tpu.memref_slice %arg8[%dma_start3A_75, %dma_start3A_76] : memref<80x128xf32, #tpu.memory_space<vmem>> -> memref<64x128xf32, #tpu.memory_space<vmem>>
        tpu.enqueue_dma source(%dma_start3A_77 : memref<64x128xf32, #tpu.memory_space<vmem>>) target(%dma_start3A_74 : memref<64x128xf32, #tpu.memory_space<vmem_shared>>) target_semaphore(%run_scoped3A : memref<!tpu.dma_semaphore, #tpu.memory_space<semaphore_mem>>)
        %dma_wait3A_78 = arith.constant 0 : i32
        %dma_wait3A_79 = arith.constant 0 : i32
        %dma_wait3A_80 = tpu.memref_slice %arg8[%dma_wait3A_78, %dma_wait3A_79] : memref<80x128xf32, #tpu.memory_space<vmem>> -> memref<64x128xf32, #tpu.memory_space<vmem>>
        %dma_wait3A_81 = arith.constant 0 : i32
        %dma_wait3A_82 = tpu.memref_slice %arg10[%add3A_67, %dma_wait3A_81] : memref<10000x128xf32, #tpu.memory_space<vmem_shared>> -> memref<64x128xf32, #tpu.memory_space<vmem_shared>>
        %dma_wait3A_83 = arith.constant 0 : i32
        %dma_wait3A_84 = tpu.memref_slice %arg10[%add3A_67, %dma_wait3A_83] : memref<10000x128xf32, #tpu.memory_space<vmem_shared>> -> memref<64x128xf32, #tpu.memory_space<vmem_shared>>
        %dma_wait3A_85 = arith.constant 0 : i32
        %dma_wait3A_86 = arith.constant 0 : i32
        %dma_wait3A_87 = tpu.memref_slice %arg8[%dma_wait3A_85, %dma_wait3A_86] : memref<80x128xf32, #tpu.memory_space<vmem>> -> memref<64x128xf32, #tpu.memory_space<vmem>>
        tpu.wait_dma2 semaphore(%run_scoped3A : memref<!tpu.dma_semaphore, #tpu.memory_space<semaphore_mem>>) src(%dma_wait3A_87 : memref<64x128xf32, #tpu.memory_space<vmem>>) dst(%dma_wait3A_84 : memref<64x128xf32, #tpu.memory_space<vmem_shared>>)
        tpu.yield
      }) : () -> ()
    } else {
    }
    %eq3A = arith.constant 15 : i32
    %eq3A_23 = arith.cmpi eq, %arg1, %eq3A : i32
    %convert_element_type3A_24 = arith.extui %eq3A_23 : i1 to i32
    %cond3A_25 = arith.constant 0 : i32
    %cond3A_26 = arith.cmpi ne, %convert_element_type3A_24, %cond3A_25 : i32
    scf.if %cond3A_26 {
      "tpu.region"() ({
        %run_scoped3A = tpu.sem_alloc : memref<!tpu.dma_semaphore, #tpu.memory_space<semaphore_mem>>
        %dma_start3A_64 = arith.constant 9920 : i32
        %dma_start3A_65 = arith.constant 0 : i32
        %dma_start3A_66 = tpu.memref_slice %arg10[%dma_start3A_64, %dma_start3A_65] : memref<10000x128xf32, #tpu.memory_space<vmem_shared>> -> memref<80x128xf32, #tpu.memory_space<vmem_shared>>
        %dma_start3A_67 = arith.constant 9920 : i32
        %dma_start3A_68 = arith.constant 0 : i32
        %dma_start3A_69 = tpu.memref_slice %arg10[%dma_start3A_67, %dma_start3A_68] : memref<10000x128xf32, #tpu.memory_space<vmem_shared>> -> memref<80x128xf32, #tpu.memory_space<vmem_shared>>
        tpu.enqueue_dma source(%arg8 : memref<80x128xf32, #tpu.memory_space<vmem>>) target(%dma_start3A_69 : memref<80x128xf32, #tpu.memory_space<vmem_shared>>) target_semaphore(%run_scoped3A : memref<!tpu.dma_semaphore, #tpu.memory_space<semaphore_mem>>)
        %dma_wait3A_70 = arith.constant 9920 : i32
        %dma_wait3A_71 = arith.constant 0 : i32
        %dma_wait3A_72 = tpu.memref_slice %arg10[%dma_wait3A_70, %dma_wait3A_71] : memref<10000x128xf32, #tpu.memory_space<vmem_shared>> -> memref<80x128xf32, #tpu.memory_space<vmem_shared>>
        %dma_wait3A_73 = arith.constant 9920 : i32
        %dma_wait3A_74 = arith.constant 0 : i32
        %dma_wait3A_75 = tpu.memref_slice %arg10[%dma_wait3A_73, %dma_wait3A_74] : memref<10000x128xf32, #tpu.memory_space<vmem_shared>> -> memref<80x128xf32, #tpu.memory_space<vmem_shared>>
        tpu.wait_dma2 semaphore(%run_scoped3A : memref<!tpu.dma_semaphore, #tpu.memory_space<semaphore_mem>>) src(%arg8 : memref<80x128xf32, #tpu.memory_space<vmem>>) dst(%dma_wait3A_75 : memref<80x128xf32, #tpu.memory_space<vmem_shared>>)
        tpu.yield
      }) : () -> ()
    } else {
    }
    %mul3A_27 = arith.constant 10000 : i32
    %mul3A_28 = arith.muli %add3A, %mul3A_27 : i32
    %dma_wait3A = tpu.memref_slice %arg3[%mul3A_28] : memref<320000xi32, #tpu.memory_space<hbm>> -> memref<10000xi32, #tpu.memory_space<hbm>>
    %dma_wait3A_29 = tpu.memref_slice %arg3[%mul3A_28] : memref<320000xi32, #tpu.memory_space<hbm>> -> memref<10000xi32, #tpu.memory_space<hbm>>
    tpu.wait_dma2 semaphore(%arg11 : memref<!tpu.dma_semaphore, #tpu.memory_space<semaphore_mem>>) src(%dma_wait3A_29 : memref<10000xi32, #tpu.memory_space<hbm>>) dst(%arg6 : memref<10000xi32, #tpu.memory_space<vmem>>)
    %dma_wait3A_30 = arith.constant 0 : i32
    %dma_wait3A_31 = arith.constant 0 : i32
    %dma_wait3A_32 = tpu.memref_slice %arg4[%add3A, %dma_wait3A_30, %dma_wait3A_31] : memref<32x125x80xi32, #tpu.memory_space<hbm>> -> memref<1x125x80xi32, #tpu.memory_space<hbm>>
    %dma_wait3A_33 = tpu.memref_squeeze %dma_wait3A_32 : memref<1x125x80xi32, #tpu.memory_space<hbm>> -> memref<125x80xi32, #tpu.memory_space<hbm>>
    %dma_wait3A_34 = arith.constant 0 : i32
    %dma_wait3A_35 = arith.constant 0 : i32
    %dma_wait3A_36 = tpu.memref_slice %arg4[%add3A, %dma_wait3A_34, %dma_wait3A_35] : memref<32x125x80xi32, #tpu.memory_space<hbm>> -> memref<1x125x80xi32, #tpu.memory_space<hbm>>
    %dma_wait3A_37 = tpu.memref_squeeze %dma_wait3A_36 : memref<1x125x80xi32, #tpu.memory_space<hbm>> -> memref<125x80xi32, #tpu.memory_space<hbm>>
    tpu.wait_dma2 semaphore(%arg12 : memref<!tpu.dma_semaphore, #tpu.memory_space<semaphore_mem>>) src(%dma_wait3A_37 : memref<125x80xi32, #tpu.memory_space<hbm>>) dst(%arg7 : memref<125x80xi32, #tpu.memory_space<vmem>>)
    %barrier3A = arith.constant 0 : index
    tpu.barrier barrier_id(%barrier3A)
    %dma_start3A_38 = arith.constant 0 : i32
    %dma_start3A_39 = tpu.memref_slice %arg6[%dma_start3A_38] : memref<10000xi32, #tpu.memory_space<vmem>> -> memref<80xi32, #tpu.memory_space<vmem>>
    %dma_start3A_40 = arith.constant 0 : i32
    %dma_start3A_41 = arith.constant 0 : i32
    %dma_start3A_42 = tpu.memref_slice %arg2[%dma_start3A_40, %dma_start3A_41] : memref<10000x128xf32, #tpu.memory_space<hbm>> -> memref<10000x128xf32, #tpu.memory_space<hbm>>
    tpu.enqueue_indirect_dma source(%dma_start3A_42 : memref<10000x128xf32, #tpu.memory_space<hbm>>) target(%arg8 : memref<80x128xf32, #tpu.memory_space<vmem>>) offsets(%dma_start3A_39 : memref<80xi32, #tpu.memory_space<vmem>>) semaphore(%arg11 : memref<!tpu.dma_semaphore, #tpu.memory_space<semaphore_mem>>)
    %dma_start3A_43 = arith.constant 80 : i32
    %dma_start3A_44 = tpu.memref_slice %arg6[%dma_start3A_43] : memref<10000xi32, #tpu.memory_space<vmem>> -> memref<80xi32, #tpu.memory_space<vmem>>
    %dma_start3A_45 = arith.constant 0 : i32
    %dma_start3A_46 = arith.constant 0 : i32
    %dma_start3A_47 = tpu.memref_slice %arg2[%dma_start3A_45, %dma_start3A_46] : memref<10000x128xf32, #tpu.memory_space<hbm>> -> memref<10000x128xf32, #tpu.memory_space<hbm>>
    tpu.enqueue_indirect_dma source(%dma_start3A_47 : memref<10000x128xf32, #tpu.memory_space<hbm>>) target(%arg9 : memref<80x128xf32, #tpu.memory_space<vmem>>) offsets(%dma_start3A_44 : memref<80xi32, #tpu.memory_space<vmem>>) semaphore(%arg12 : memref<!tpu.dma_semaphore, #tpu.memory_space<semaphore_mem>>)
    %scan3A_48 = arith.constant 0 : i32
    %scan3A_49 = arith.constant 63 : i32
    %scan3A_50 = arith.addi %scan3A_48, %scan3A_49 : i32
    %scan3A_51 = arith.constant 1 : i32
    scf.for %scan3A_64 = %scan3A_48 to %scan3A_50 step %scan3A_51  : i32 {
      %mul3A_65 = arith.constant 1 : i32
      %mul3A_66 = arith.muli %scan3A_64, %mul3A_65 : i32
      %add3A_67 = arith.constant 0 : i32
      %add3A_68 = arith.addi %add3A_67, %mul3A_66 : i32
      %mul3A_69 = arith.constant 2 : i32
      %mul3A_70 = arith.muli %add3A_68, %mul3A_69 : i32
      %mul3A_71 = arith.constant 80 : i32
      %mul3A_72 = arith.muli %mul3A_70, %mul3A_71 : i32
      %dma_wait3A_73 = tpu.memref_slice %arg6[%mul3A_72] : memref<10000xi32, #tpu.memory_space<vmem>> -> memref<80xi32, #tpu.memory_space<vmem>>
      %dma_wait3A_74 = arith.constant 0 : i32
      %dma_wait3A_75 = arith.constant 0 : i32
      %dma_wait3A_76 = tpu.memref_slice %arg2[%dma_wait3A_74, %dma_wait3A_75] : memref<10000x128xf32, #tpu.memory_space<hbm>> -> memref<10000x128xf32, #tpu.memory_space<hbm>>
      tpu.wait_indirect_dma semaphore(%arg11 : memref<!tpu.dma_semaphore, #tpu.memory_space<semaphore_mem>>) src(%dma_wait3A_76 : memref<10000x128xf32, #tpu.memory_space<hbm>>) dst(%arg8 : memref<80x128xf32, #tpu.memory_space<vmem>>)
      %dma_start3A_77 = arith.constant 0 : i32
      %dma_start3A_78 = tpu.memref_slice %arg7[%mul3A_70, %dma_start3A_77] : memref<125x80xi32, #tpu.memory_space<vmem>> -> memref<1x80xi32, #tpu.memory_space<vmem>>
      %dma_start3A_79 = tpu.memref_squeeze %dma_start3A_78 : memref<1x80xi32, #tpu.memory_space<vmem>> -> memref<80xi32, #tpu.memory_space<vmem>>
      %dma_start3A_80 = arith.constant 0 : i32
      %dma_start3A_81 = arith.constant 0 : i32
      %dma_start3A_82 = tpu.memref_slice %arg10[%dma_start3A_80, %dma_start3A_81] : memref<10000x128xf32, #tpu.memory_space<vmem_shared>> -> memref<10000x128xf32, #tpu.memory_space<vmem_shared>>
      tpu.enqueue_indirect_dma source(%arg8 : memref<80x128xf32, #tpu.memory_space<vmem>>) target(%dma_start3A_82 : memref<10000x128xf32, #tpu.memory_space<vmem_shared>>) offsets(%dma_start3A_79 : memref<80xi32, #tpu.memory_space<vmem>>) semaphore(%arg13 : memref<!tpu.dma_semaphore, #tpu.memory_space<semaphore_mem>>) {add = true}
      %add3A_83 = arith.constant 1 : i32
      %add3A_84 = arith.addi %mul3A_70, %add3A_83 : i32
      %lt3A_85 = arith.constant 125 : i32
      %lt3A_86 = arith.cmpi slt, %add3A_84, %lt3A_85 : i32
      %convert_element_type3A_87 = arith.extui %lt3A_86 : i1 to i32
      %cond3A_88 = arith.constant 0 : i32
      %cond3A_89 = arith.cmpi ne, %convert_element_type3A_87, %cond3A_88 : i32
      scf.if %cond3A_89 {
        %add3A_110 = arith.constant 1 : i32
        %add3A_111 = arith.addi %mul3A_70, %add3A_110 : i32
        %mul3A_112 = arith.constant 80 : i32
        %mul3A_113 = arith.muli %add3A_111, %mul3A_112 : i32
        %dma_wait3A_114 = tpu.memref_slice %arg6[%mul3A_113] : memref<10000xi32, #tpu.memory_space<vmem>> -> memref<80xi32, #tpu.memory_space<vmem>>
        %dma_wait3A_115 = arith.constant 0 : i32
        %dma_wait3A_116 = arith.constant 0 : i32
        %dma_wait3A_117 = tpu.memref_slice %arg2[%dma_wait3A_115, %dma_wait3A_116] : memref<10000x128xf32, #tpu.memory_space<hbm>> -> memref<10000x128xf32, #tpu.memory_space<hbm>>
        tpu.wait_indirect_dma semaphore(%arg12 : memref<!tpu.dma_semaphore, #tpu.memory_space<semaphore_mem>>) src(%dma_wait3A_117 : memref<10000x128xf32, #tpu.memory_space<hbm>>) dst(%arg9 : memref<80x128xf32, #tpu.memory_space<vmem>>)
        %add3A_118 = arith.constant 1 : i32
        %add3A_119 = arith.addi %mul3A_70, %add3A_118 : i32
        %dma_start3A_120 = arith.constant 0 : i32
        %dma_start3A_121 = tpu.memref_slice %arg7[%add3A_119, %dma_start3A_120] : memref<125x80xi32, #tpu.memory_space<vmem>> -> memref<1x80xi32, #tpu.memory_space<vmem>>
        %dma_start3A_122 = tpu.memref_squeeze %dma_start3A_121 : memref<1x80xi32, #tpu.memory_space<vmem>> -> memref<80xi32, #tpu.memory_space<vmem>>
        %dma_start3A_123 = arith.constant 0 : i32
        %dma_start3A_124 = arith.constant 0 : i32
        %dma_start3A_125 = tpu.memref_slice %arg10[%dma_start3A_123, %dma_start3A_124] : memref<10000x128xf32, #tpu.memory_space<vmem_shared>> -> memref<10000x128xf32, #tpu.memory_space<vmem_shared>>
        tpu.enqueue_indirect_dma source(%arg9 : memref<80x128xf32, #tpu.memory_space<vmem>>) target(%dma_start3A_125 : memref<10000x128xf32, #tpu.memory_space<vmem_shared>>) offsets(%dma_start3A_122 : memref<80xi32, #tpu.memory_space<vmem>>) semaphore(%arg14 : memref<!tpu.dma_semaphore, #tpu.memory_space<semaphore_mem>>) {add = true}
      } else {
      }
      %dma_wait3A_90 = arith.constant 0 : i32
      %dma_wait3A_91 = tpu.memref_slice %arg7[%mul3A_70, %dma_wait3A_90] : memref<125x80xi32, #tpu.memory_space<vmem>> -> memref<1x80xi32, #tpu.memory_space<vmem>>
      %dma_wait3A_92 = tpu.memref_squeeze %dma_wait3A_91 : memref<1x80xi32, #tpu.memory_space<vmem>> -> memref<80xi32, #tpu.memory_space<vmem>>
      %dma_wait3A_93 = arith.constant 0 : i32
      %dma_wait3A_94 = arith.constant 0 : i32
      %dma_wait3A_95 = tpu.memref_slice %arg10[%dma_wait3A_93, %dma_wait3A_94] : memref<10000x128xf32, #tpu.memory_space<vmem_shared>> -> memref<10000x128xf32, #tpu.memory_space<vmem_shared>>
      tpu.wait_indirect_dma semaphore(%arg13 : memref<!tpu.dma_semaphore, #tpu.memory_space<semaphore_mem>>) src(%arg8 : memref<80x128xf32, #tpu.memory_space<vmem>>) dst(%dma_wait3A_95 : memref<10000x128xf32, #tpu.memory_space<vmem_shared>>)
      %add3A_96 = arith.constant 2 : i32
      %add3A_97 = arith.addi %mul3A_70, %add3A_96 : i32
      %lt3A_98 = arith.constant 125 : i32
      %lt3A_99 = arith.cmpi slt, %add3A_97, %lt3A_98 : i32
      %convert_element_type3A_100 = arith.extui %lt3A_99 : i1 to i32
      %cond3A_101 = arith.constant 0 : i32
      %cond3A_102 = arith.cmpi ne, %convert_element_type3A_100, %cond3A_101 : i32
      scf.if %cond3A_102 {
        %add3A_110 = arith.constant 2 : i32
        %add3A_111 = arith.addi %mul3A_70, %add3A_110 : i32
        %mul3A_112 = arith.constant 80 : i32
        %mul3A_113 = arith.muli %add3A_111, %mul3A_112 : i32
        %dma_start3A_114 = tpu.memref_slice %arg6[%mul3A_113] : memref<10000xi32, #tpu.memory_space<vmem>> -> memref<80xi32, #tpu.memory_space<vmem>>
        %dma_start3A_115 = arith.constant 0 : i32
        %dma_start3A_116 = arith.constant 0 : i32
        %dma_start3A_117 = tpu.memref_slice %arg2[%dma_start3A_115, %dma_start3A_116] : memref<10000x128xf32, #tpu.memory_space<hbm>> -> memref<10000x128xf32, #tpu.memory_space<hbm>>
        tpu.enqueue_indirect_dma source(%dma_start3A_117 : memref<10000x128xf32, #tpu.memory_space<hbm>>) target(%arg8 : memref<80x128xf32, #tpu.memory_space<vmem>>) offsets(%dma_start3A_114 : memref<80xi32, #tpu.memory_space<vmem>>) semaphore(%arg11 : memref<!tpu.dma_semaphore, #tpu.memory_space<semaphore_mem>>)
      } else {
      }
      %add3A_103 = arith.constant 1 : i32
      %add3A_104 = arith.addi %mul3A_70, %add3A_103 : i32
      %lt3A_105 = arith.constant 125 : i32
      %lt3A_106 = arith.cmpi slt, %add3A_104, %lt3A_105 : i32
      %convert_element_type3A_107 = arith.extui %lt3A_106 : i1 to i32
      %cond3A_108 = arith.constant 0 : i32
      %cond3A_109 = arith.cmpi ne, %convert_element_type3A_107, %cond3A_108 : i32
      scf.if %cond3A_109 {
        %add3A_110 = arith.constant 1 : i32
        %add3A_111 = arith.addi %mul3A_70, %add3A_110 : i32
        %dma_wait3A_112 = arith.constant 0 : i32
        %dma_wait3A_113 = tpu.memref_slice %arg7[%add3A_111, %dma_wait3A_112] : memref<125x80xi32, #tpu.memory_space<vmem>> -> memref<1x80xi32, #tpu.memory_space<vmem>>
        %dma_wait3A_114 = tpu.memref_squeeze %dma_wait3A_113 : memref<1x80xi32, #tpu.memory_space<vmem>> -> memref<80xi32, #tpu.memory_space<vmem>>
        %dma_wait3A_115 = arith.constant 0 : i32
        %dma_wait3A_116 = arith.constant 0 : i32
        %dma_wait3A_117 = tpu.memref_slice %arg10[%dma_wait3A_115, %dma_wait3A_116] : memref<10000x128xf32, #tpu.memory_space<vmem_shared>> -> memref<10000x128xf32, #tpu.memory_space<vmem_shared>>
        tpu.wait_indirect_dma semaphore(%arg14 : memref<!tpu.dma_semaphore, #tpu.memory_space<semaphore_mem>>) src(%arg9 : memref<80x128xf32, #tpu.memory_space<vmem>>) dst(%dma_wait3A_117 : memref<10000x128xf32, #tpu.memory_space<vmem_shared>>)
        %add3A_118 = arith.constant 3 : i32
        %add3A_119 = arith.addi %mul3A_70, %add3A_118 : i32
        %lt3A_120 = arith.constant 125 : i32
        %lt3A_121 = arith.cmpi slt, %add3A_119, %lt3A_120 : i32
        %convert_element_type3A_122 = arith.extui %lt3A_121 : i1 to i32
        %cond3A_123 = arith.constant 0 : i32
        %cond3A_124 = arith.cmpi ne, %convert_element_type3A_122, %cond3A_123 : i32
        scf.if %cond3A_124 {
          %add3A_125 = arith.constant 3 : i32
          %add3A_126 = arith.addi %mul3A_70, %add3A_125 : i32
          %mul3A_127 = arith.constant 80 : i32
          %mul3A_128 = arith.muli %add3A_126, %mul3A_127 : i32
          %dma_start3A_129 = tpu.memref_slice %arg6[%mul3A_128] : memref<10000xi32, #tpu.memory_space<vmem>> -> memref<80xi32, #tpu.memory_space<vmem>>
          %dma_start3A_130 = arith.constant 0 : i32
          %dma_start3A_131 = arith.constant 0 : i32
          %dma_start3A_132 = tpu.memref_slice %arg2[%dma_start3A_130, %dma_start3A_131] : memref<10000x128xf32, #tpu.memory_space<hbm>> -> memref<10000x128xf32, #tpu.memory_space<hbm>>
          tpu.enqueue_indirect_dma source(%dma_start3A_132 : memref<10000x128xf32, #tpu.memory_space<hbm>>) target(%arg9 : memref<80x128xf32, #tpu.memory_space<vmem>>) offsets(%dma_start3A_129 : memref<80xi32, #tpu.memory_space<vmem>>) semaphore(%arg12 : memref<!tpu.dma_semaphore, #tpu.memory_space<semaphore_mem>>)
        } else {
        }
      } else {
      }
    }
    %scan3A_52 = arith.constant 63 : i32
    %barrier3A_53 = arith.constant 0 : index
    tpu.barrier barrier_id(%barrier3A_53)
    %lt3A_54 = arith.constant 15 : i32
    %lt3A_55 = arith.cmpi slt, %arg1, %lt3A_54 : i32
    %convert_element_type3A_56 = arith.extui %lt3A_55 : i1 to i32
    %cond3A_57 = arith.constant 0 : i32
    %cond3A_58 = arith.cmpi ne, %convert_element_type3A_56, %cond3A_57 : i32
    scf.if %cond3A_58 {
      %mul3A_64 = arith.constant 624 : i32
      %mul3A_65 = arith.muli %arg1, %mul3A_64 : i32
      %mul3A_66 = arith.constant 624 : i32
      %mul3A_67 = arith.muli %arg1, %mul3A_66 : i32
      "tpu.region"() ({
        %run_scoped3A = tpu.sem_alloc : memref<!tpu.dma_semaphore, #tpu.memory_space<semaphore_mem>>
        %dma_start3A_68 = arith.constant 0 : i32
        %dma_start3A_69 = tpu.memref_slice %arg5[%arg0, %mul3A_67, %dma_start3A_68] : memref<2x10000x128xf32, #tpu.memory_space<hbm>> -> memref<1x624x128xf32, #tpu.memory_space<hbm>>
        %dma_start3A_70 = tpu.memref_squeeze %dma_start3A_69 : memref<1x624x128xf32, #tpu.memory_space<hbm>> -> memref<624x128xf32, #tpu.memory_space<hbm>>
        %dma_start3A_71 = arith.constant 0 : i32
        %dma_start3A_72 = tpu.memref_slice %arg10[%mul3A_65, %dma_start3A_71] : memref<10000x128xf32, #tpu.memory_space<vmem_shared>> -> memref<624x128xf32, #tpu.memory_space<vmem_shared>>
        tpu.enqueue_dma source(%dma_start3A_72 : memref<624x128xf32, #tpu.memory_space<vmem_shared>>) target(%dma_start3A_70 : memref<624x128xf32, #tpu.memory_space<hbm>>) target_semaphore(%run_scoped3A : memref<!tpu.dma_semaphore, #tpu.memory_space<semaphore_mem>>)
        %dma_wait3A_73 = arith.constant 0 : i32
        %dma_wait3A_74 = tpu.memref_slice %arg5[%arg0, %mul3A_67, %dma_wait3A_73] : memref<2x10000x128xf32, #tpu.memory_space<hbm>> -> memref<1x624x128xf32, #tpu.memory_space<hbm>>
        %dma_wait3A_75 = tpu.memref_squeeze %dma_wait3A_74 : memref<1x624x128xf32, #tpu.memory_space<hbm>> -> memref<624x128xf32, #tpu.memory_space<hbm>>
        %dma_wait3A_76 = arith.constant 0 : i32
        %dma_wait3A_77 = tpu.memref_slice %arg10[%mul3A_65, %dma_wait3A_76] : memref<10000x128xf32, #tpu.memory_space<vmem_shared>> -> memref<624x128xf32, #tpu.memory_space<vmem_shared>>
        tpu.wait_dma2 semaphore(%run_scoped3A : memref<!tpu.dma_semaphore, #tpu.memory_space<semaphore_mem>>) src(%dma_wait3A_77 : memref<624x128xf32, #tpu.memory_space<vmem_shared>>) dst(%dma_wait3A_75 : memref<624x128xf32, #tpu.memory_space<hbm>>)
        tpu.yield
      }) : () -> ()
    } else {
    }
    %eq3A_59 = arith.constant 15 : i32
    %eq3A_60 = arith.cmpi eq, %arg1, %eq3A_59 : i32
    %convert_element_type3A_61 = arith.extui %eq3A_60 : i1 to i32
    %cond3A_62 = arith.constant 0 : i32
    %cond3A_63 = arith.cmpi ne, %convert_element_type3A_61, %cond3A_62 : i32
    scf.if %cond3A_63 {
      "tpu.region"() ({
        %run_scoped3A = tpu.sem_alloc : memref<!tpu.dma_semaphore, #tpu.memory_space<semaphore_mem>>
        %dma_start3A_64 = arith.constant 9360 : i32
        %dma_start3A_65 = arith.constant 0 : i32
        %dma_start3A_66 = tpu.memref_slice %arg5[%arg0, %dma_start3A_64, %dma_start3A_65] : memref<2x10000x128xf32, #tpu.memory_space<hbm>> -> memref<1x640x128xf32, #tpu.memory_space<hbm>>
        %dma_start3A_67 = tpu.memref_squeeze %dma_start3A_66 : memref<1x640x128xf32, #tpu.memory_space<hbm>> -> memref<640x128xf32, #tpu.memory_space<hbm>>
        %dma_start3A_68 = arith.constant 9360 : i32
        %dma_start3A_69 = arith.constant 0 : i32
        %dma_start3A_70 = tpu.memref_slice %arg10[%dma_start3A_68, %dma_start3A_69] : memref<10000x128xf32, #tpu.memory_space<vmem_shared>> -> memref<640x128xf32, #tpu.memory_space<vmem_shared>>
        tpu.enqueue_dma source(%dma_start3A_70 : memref<640x128xf32, #tpu.memory_space<vmem_shared>>) target(%dma_start3A_67 : memref<640x128xf32, #tpu.memory_space<hbm>>) target_semaphore(%run_scoped3A : memref<!tpu.dma_semaphore, #tpu.memory_space<semaphore_mem>>)
        %dma_wait3A_71 = arith.constant 9360 : i32
        %dma_wait3A_72 = arith.constant 0 : i32
        %dma_wait3A_73 = tpu.memref_slice %arg5[%arg0, %dma_wait3A_71, %dma_wait3A_72] : memref<2x10000x128xf32, #tpu.memory_space<hbm>> -> memref<1x640x128xf32, #tpu.memory_space<hbm>>
        %dma_wait3A_74 = tpu.memref_squeeze %dma_wait3A_73 : memref<1x640x128xf32, #tpu.memory_space<hbm>> -> memref<640x128xf32, #tpu.memory_space<hbm>>
        %dma_wait3A_75 = arith.constant 9360 : i32
        %dma_wait3A_76 = arith.constant 0 : i32
        %dma_wait3A_77 = tpu.memref_slice %arg10[%dma_wait3A_75, %dma_wait3A_76] : memref<10000x128xf32, #tpu.memory_space<vmem_shared>> -> memref<640x128xf32, #tpu.memory_space<vmem_shared>>
        tpu.wait_dma2 semaphore(%run_scoped3A : memref<!tpu.dma_semaphore, #tpu.memory_space<semaphore_mem>>) src(%dma_wait3A_77 : memref<640x128xf32, #tpu.memory_space<vmem_shared>>) dst(%dma_wait3A_74 : memref<640x128xf32, #tpu.memory_space<hbm>>)
        tpu.yield
      }) : () -> ()
    } else {
    }
    return
  }
}

#map = affine_map<(d0, d1) -> (0, 0)>
#map1 = affine_map<(d0, d1) -> (0)>
#map2 = affine_map<(d0, d1) -> (0, 0, 0)>
module attributes {stable_mosaic.version = 14 : i64} {
  func.func @_agg_kernel(%arg0: i32, %arg1: i32, %arg2: memref<10000x128xf32, #tpu.memory_space<hbm>>, %arg3: memref<320000xi32, #tpu.memory_space<hbm>>, %arg4: memref<32x125x80xi32, #tpu.memory_space<hbm>>, %arg5: memref<2x10000x128xf32, #tpu.memory_space<hbm>>, %arg6: memref<10000xi32, #tpu.memory_space<vmem>>, %arg7: memref<125x80xi32, #tpu.memory_space<vmem>>, %arg8: memref<80x128xf32, #tpu.memory_space<vmem>>, %arg9: memref<80x128xf32, #tpu.memory_space<vmem>>, %arg10: memref<10000x128xf32, #tpu.memory_space<vmem_shared>>, %arg11: memref<!tpu.dma_semaphore, #tpu.memory_space<semaphore_mem>>, %arg12: memref<!tpu.dma_semaphore, #tpu.memory_space<semaphore_mem>>, %arg13: memref<!tpu.dma_semaphore, #tpu.memory_space<semaphore_mem>>, %arg14: memref<!tpu.dma_semaphore, #tpu.memory_space<semaphore_mem>>) attributes {dimension_semantics = [#tpu.dimension_semantics<core_parallel>, #tpu.dimension_semantics<subcore_parallel>], iteration_bounds = array<i64: 2, 16>, scalar_prefetch = 0 : i64, scratch_operands = 9 : i64, tpu.core_type = #tpu.core_type<sc_vector_subcore>, window_params = [{transform_indices = #map}, {transform_indices = #map1}, {transform_indices = #map2}, {transform_indices = #map2}]} {
    %mul3A = arith.constant 2 : i32
    %mul3A_0 = arith.muli %arg1, %mul3A : i32
    %add3A = arith.addi %mul3A_0, %arg0 : i32
    %mul3A_1 = arith.constant 10000 : i32
    %mul3A_2 = arith.muli %add3A, %mul3A_1 : i32
    %dma_start3A = tpu.memref_slice %arg3[%mul3A_2] : memref<320000xi32, #tpu.memory_space<hbm>> -> memref<10000xi32, #tpu.memory_space<hbm>>
    %dma_start3A_3 = tpu.memref_slice %arg3[%mul3A_2] : memref<320000xi32, #tpu.memory_space<hbm>> -> memref<10000xi32, #tpu.memory_space<hbm>>
    tpu.enqueue_dma source(%dma_start3A_3 : memref<10000xi32, #tpu.memory_space<hbm>>) target(%arg6 : memref<10000xi32, #tpu.memory_space<vmem>>) target_semaphore(%arg11 : memref<!tpu.dma_semaphore, #tpu.memory_space<semaphore_mem>>)
    %dma_start3A_4 = arith.constant 0 : i32
    %dma_start3A_5 = arith.constant 0 : i32
    %dma_start3A_6 = tpu.memref_slice %arg4[%add3A, %dma_start3A_4, %dma_start3A_5] : memref<32x125x80xi32, #tpu.memory_space<hbm>> -> memref<1x125x80xi32, #tpu.memory_space<hbm>>
    %dma_start3A_7 = tpu.memref_squeeze %dma_start3A_6 : memref<1x125x80xi32, #tpu.memory_space<hbm>> -> memref<125x80xi32, #tpu.memory_space<hbm>>
    %dma_start3A_8 = arith.constant 0 : i32
    %dma_start3A_9 = arith.constant 0 : i32
    %dma_start3A_10 = tpu.memref_slice %arg4[%add3A, %dma_start3A_8, %dma_start3A_9] : memref<32x125x80xi32, #tpu.memory_space<hbm>> -> memref<1x125x80xi32, #tpu.memory_space<hbm>>
    %dma_start3A_11 = tpu.memref_squeeze %dma_start3A_10 : memref<1x125x80xi32, #tpu.memory_space<hbm>> -> memref<125x80xi32, #tpu.memory_space<hbm>>
    tpu.enqueue_dma source(%dma_start3A_11 : memref<125x80xi32, #tpu.memory_space<hbm>>) target(%arg7 : memref<125x80xi32, #tpu.memory_space<vmem>>) target_semaphore(%arg12 : memref<!tpu.dma_semaphore, #tpu.memory_space<semaphore_mem>>)
    %scan3A = arith.constant 0 : i32
    %scan3A_12 = arith.constant 80 : i32
    %scan3A_13 = arith.addi %scan3A, %scan3A_12 : i32
    %scan3A_14 = arith.constant 1 : i32
    scf.for %scan3A_64 = %scan3A to %scan3A_13 step %scan3A_14  : i32 {
      %mul3A_65 = arith.constant 1 : i32
      %mul3A_66 = arith.muli %scan3A_64, %mul3A_65 : i32
      %add3A_67 = arith.constant 0 : i32
      %add3A_68 = arith.addi %add3A_67, %mul3A_66 : i32
      %scan3A_69 = arith.constant 0 : i32
      %scan3A_70 = arith.constant 8 : i32
      %scan3A_71 = arith.addi %scan3A_69, %scan3A_70 : i32
      %scan3A_72 = arith.constant 1 : i32
      scf.for %scan3A_74 = %scan3A_69 to %scan3A_71 step %scan3A_72  : i32 {
        %mul3A_75 = arith.constant 1 : i32
        %mul3A_76 = arith.muli %scan3A_74, %mul3A_75 : i32
        %add3A_77 = arith.constant 0 : i32
        %add3A_78 = arith.addi %add3A_77, %mul3A_76 : i32
        %broadcast_in_dim3A = arith.constant 0.000000e+00 : f32
        %broadcast_in_dim3A_79 = vector.broadcast %broadcast_in_dim3A : f32 to vector<16xf32>
        %mul3A_80 = arith.constant 16 : i32
        %mul3A_81 = arith.muli %add3A_78, %mul3A_80 : i32
        %swap3A = arith.index_cast %add3A_68 : i32 to index
        %swap3A_82 = arith.index_cast %mul3A_81 : i32 to index
        %swap3A_83 = tpu.vector_load %arg8[%swap3A, %swap3A_82] {strides = array<i32>} : memref<80x128xf32, #tpu.memory_space<vmem>>, vector<1x16xf32>,
        %swap3A_84 = vector.shape_cast %swap3A_83 : vector<1x16xf32> to vector<16xf32>
        %swap3A_85 = vector.shape_cast %broadcast_in_dim3A_79 : vector<16xf32> to vector<1x16xf32>
        tpu.vector_store %arg8[%swap3A, %swap3A_82], %swap3A_85 {strides = array<i32>} : memref<80x128xf32, #tpu.memory_space<vmem>>, vector<1x16xf32>,
      }
      %scan3A_73 = arith.constant 8 : i32
    }
    %scan3A_15 = arith.constant 80 : i32
    %scan3A_16 = arith.constant 0 : i32
    %scan3A_17 = arith.constant 7 : i32
    %scan3A_18 = arith.addi %scan3A_16, %scan3A_17 : i32
    %scan3A_19 = arith.constant 1 : i32
    scf.for %scan3A_64 = %scan3A_16 to %scan3A_18 step %scan3A_19  : i32 {
      %mul3A_65 = arith.constant 1 : i32
      %mul3A_66 = arith.muli %scan3A_64, %mul3A_65 : i32
      %add3A_67 = arith.constant 0 : i32
      %add3A_68 = arith.addi %add3A_67, %mul3A_66 : i32
      %mul3A_69 = arith.constant 624 : i32
      %mul3A_70 = arith.muli %arg1, %mul3A_69 : i32
      %mul3A_71 = arith.constant 80 : i32
      %mul3A_72 = arith.muli %add3A_68, %mul3A_71 : i32
      %add3A_73 = arith.addi %mul3A_70, %mul3A_72 : i32
      "tpu.region"() ({
        %run_scoped3A = tpu.sem_alloc : memref<!tpu.dma_semaphore, #tpu.memory_space<semaphore_mem>>
        %dma_start3A_74 = arith.constant 0 : i32
        %dma_start3A_75 = tpu.memref_slice %arg10[%add3A_73, %dma_start3A_74] : memref<10000x128xf32, #tpu.memory_space<vmem_shared>> -> memref<80x128xf32, #tpu.memory_space<vmem_shared>>
        %dma_start3A_76 = arith.constant 0 : i32
        %dma_start3A_77 = tpu.memref_slice %arg10[%add3A_73, %dma_start3A_76] : memref<10000x128xf32, #tpu.memory_space<vmem_shared>> -> memref<80x128xf32, #tpu.memory_space<vmem_shared>>
        tpu.enqueue_dma source(%arg8 : memref<80x128xf32, #tpu.memory_space<vmem>>) target(%dma_start3A_77 : memref<80x128xf32, #tpu.memory_space<vmem_shared>>) target_semaphore(%run_scoped3A : memref<!tpu.dma_semaphore, #tpu.memory_space<semaphore_mem>>)
        %dma_wait3A_78 = arith.constant 0 : i32
        %dma_wait3A_79 = tpu.memref_slice %arg10[%add3A_73, %dma_wait3A_78] : memref<10000x128xf32, #tpu.memory_space<vmem_shared>> -> memref<80x128xf32, #tpu.memory_space<vmem_shared>>
        %dma_wait3A_80 = arith.constant 0 : i32
        %dma_wait3A_81 = tpu.memref_slice %arg10[%add3A_73, %dma_wait3A_80] : memref<10000x128xf32, #tpu.memory_space<vmem_shared>> -> memref<80x128xf32, #tpu.memory_space<vmem_shared>>
        tpu.wait_dma2 semaphore(%run_scoped3A : memref<!tpu.dma_semaphore, #tpu.memory_space<semaphore_mem>>) src(%arg8 : memref<80x128xf32, #tpu.memory_space<vmem>>) dst(%dma_wait3A_81 : memref<80x128xf32, #tpu.memory_space<vmem_shared>>)
        tpu.yield
      }) : () -> ()
    }
    %scan3A_20 = arith.constant 7 : i32
    %lt3A = arith.constant 15 : i32
    %lt3A_21 = arith.cmpi slt, %arg1, %lt3A : i32
    %convert_element_type3A = arith.extui %lt3A_21 : i1 to i32
    %cond3A = arith.constant 0 : i32
    %cond3A_22 = arith.cmpi ne, %convert_element_type3A, %cond3A : i32
    scf.if %cond3A_22 {
      %mul3A_64 = arith.constant 624 : i32
      %mul3A_65 = arith.muli %arg1, %mul3A_64 : i32
      %add3A_66 = arith.constant 560 : i32
      %add3A_67 = arith.addi %mul3A_65, %add3A_66 : i32
      "tpu.region"() ({
        %run_scoped3A = tpu.sem_alloc : memref<!tpu.dma_semaphore, #tpu.memory_space<semaphore_mem>>
        %dma_start3A_68 = arith.constant 0 : i32
        %dma_start3A_69 = arith.constant 0 : i32
        %dma_start3A_70 = tpu.memref_slice %arg8[%dma_start3A_68, %dma_start3A_69] : memref<80x128xf32, #tpu.memory_space<vmem>> -> memref<64x128xf32, #tpu.memory_space<vmem>>
        %dma_start3A_71 = arith.constant 0 : i32
        %dma_start3A_72 = tpu.memref_slice %arg10[%add3A_67, %dma_start3A_71] : memref<10000x128xf32, #tpu.memory_space<vmem_shared>> -> memref<64x128xf32, #tpu.memory_space<vmem_shared>>
        %dma_start3A_73 = arith.constant 0 : i32
        %dma_start3A_74 = tpu.memref_slice %arg10[%add3A_67, %dma_start3A_73] : memref<10000x128xf32, #tpu.memory_space<vmem_shared>> -> memref<64x128xf32, #tpu.memory_space<vmem_shared>>
        %dma_start3A_75 = arith.constant 0 : i32
        %dma_start3A_76 = arith.constant 0 : i32
        %dma_start3A_77 = tpu.memref_slice %arg8[%dma_start3A_75, %dma_start3A_76] : memref<80x128xf32, #tpu.memory_space<vmem>> -> memref<64x128xf32, #tpu.memory_space<vmem>>
        tpu.enqueue_dma source(%dma_start3A_77 : memref<64x128xf32, #tpu.memory_space<vmem>>) target(%dma_start3A_74 : memref<64x128xf32, #tpu.memory_space<vmem_shared>>) target_semaphore(%run_scoped3A : memref<!tpu.dma_semaphore, #tpu.memory_space<semaphore_mem>>)
        %dma_wait3A_78 = arith.constant 0 : i32
        %dma_wait3A_79 = arith.constant 0 : i32
        %dma_wait3A_80 = tpu.memref_slice %arg8[%dma_wait3A_78, %dma_wait3A_79] : memref<80x128xf32, #tpu.memory_space<vmem>> -> memref<64x128xf32, #tpu.memory_space<vmem>>
        %dma_wait3A_81 = arith.constant 0 : i32
        %dma_wait3A_82 = tpu.memref_slice %arg10[%add3A_67, %dma_wait3A_81] : memref<10000x128xf32, #tpu.memory_space<vmem_shared>> -> memref<64x128xf32, #tpu.memory_space<vmem_shared>>
        %dma_wait3A_83 = arith.constant 0 : i32
        %dma_wait3A_84 = tpu.memref_slice %arg10[%add3A_67, %dma_wait3A_83] : memref<10000x128xf32, #tpu.memory_space<vmem_shared>> -> memref<64x128xf32, #tpu.memory_space<vmem_shared>>
        %dma_wait3A_85 = arith.constant 0 : i32
        %dma_wait3A_86 = arith.constant 0 : i32
        %dma_wait3A_87 = tpu.memref_slice %arg8[%dma_wait3A_85, %dma_wait3A_86] : memref<80x128xf32, #tpu.memory_space<vmem>> -> memref<64x128xf32, #tpu.memory_space<vmem>>
        tpu.wait_dma2 semaphore(%run_scoped3A : memref<!tpu.dma_semaphore, #tpu.memory_space<semaphore_mem>>) src(%dma_wait3A_87 : memref<64x128xf32, #tpu.memory_space<vmem>>) dst(%dma_wait3A_84 : memref<64x128xf32, #tpu.memory_space<vmem_shared>>)
        tpu.yield
      }) : () -> ()
    } else {
    }
    %eq3A = arith.constant 15 : i32
    %eq3A_23 = arith.cmpi eq, %arg1, %eq3A : i32
    %convert_element_type3A_24 = arith.extui %eq3A_23 : i1 to i32
    %cond3A_25 = arith.constant 0 : i32
    %cond3A_26 = arith.cmpi ne, %convert_element_type3A_24, %cond3A_25 : i32
    scf.if %cond3A_26 {
      "tpu.region"() ({
        %run_scoped3A = tpu.sem_alloc : memref<!tpu.dma_semaphore, #tpu.memory_space<semaphore_mem>>
        %dma_start3A_64 = arith.constant 9920 : i32
        %dma_start3A_65 = arith.constant 0 : i32
        %dma_start3A_66 = tpu.memref_slice %arg10[%dma_start3A_64, %dma_start3A_65] : memref<10000x128xf32, #tpu.memory_space<vmem_shared>> -> memref<80x128xf32, #tpu.memory_space<vmem_shared>>
        %dma_start3A_67 = arith.constant 9920 : i32
        %dma_start3A_68 = arith.constant 0 : i32
        %dma_start3A_69 = tpu.memref_slice %arg10[%dma_start3A_67, %dma_start3A_68] : memref<10000x128xf32, #tpu.memory_space<vmem_shared>> -> memref<80x128xf32, #tpu.memory_space<vmem_shared>>
        tpu.enqueue_dma source(%arg8 : memref<80x128xf32, #tpu.memory_space<vmem>>) target(%dma_start3A_69 : memref<80x128xf32, #tpu.memory_space<vmem_shared>>) target_semaphore(%run_scoped3A : memref<!tpu.dma_semaphore, #tpu.memory_space<semaphore_mem>>)
        %dma_wait3A_70 = arith.constant 9920 : i32
        %dma_wait3A_71 = arith.constant 0 : i32
        %dma_wait3A_72 = tpu.memref_slice %arg10[%dma_wait3A_70, %dma_wait3A_71] : memref<10000x128xf32, #tpu.memory_space<vmem_shared>> -> memref<80x128xf32, #tpu.memory_space<vmem_shared>>
        %dma_wait3A_73 = arith.constant 9920 : i32
        %dma_wait3A_74 = arith.constant 0 : i32
        %dma_wait3A_75 = tpu.memref_slice %arg10[%dma_wait3A_73, %dma_wait3A_74] : memref<10000x128xf32, #tpu.memory_space<vmem_shared>> -> memref<80x128xf32, #tpu.memory_space<vmem_shared>>
        tpu.wait_dma2 semaphore(%run_scoped3A : memref<!tpu.dma_semaphore, #tpu.memory_space<semaphore_mem>>) src(%arg8 : memref<80x128xf32, #tpu.memory_space<vmem>>) dst(%dma_wait3A_75 : memref<80x128xf32, #tpu.memory_space<vmem_shared>>)
        tpu.yield
      }) : () -> ()
    } else {
    }
    %mul3A_27 = arith.constant 10000 : i32
    %mul3A_28 = arith.muli %add3A, %mul3A_27 : i32
    %dma_wait3A = tpu.memref_slice %arg3[%mul3A_28] : memref<320000xi32, #tpu.memory_space<hbm>> -> memref<10000xi32, #tpu.memory_space<hbm>>
    %dma_wait3A_29 = tpu.memref_slice %arg3[%mul3A_28] : memref<320000xi32, #tpu.memory_space<hbm>> -> memref<10000xi32, #tpu.memory_space<hbm>>
    tpu.wait_dma2 semaphore(%arg11 : memref<!tpu.dma_semaphore, #tpu.memory_space<semaphore_mem>>) src(%dma_wait3A_29 : memref<10000xi32, #tpu.memory_space<hbm>>) dst(%arg6 : memref<10000xi32, #tpu.memory_space<vmem>>)
    %dma_wait3A_30 = arith.constant 0 : i32
    %dma_wait3A_31 = arith.constant 0 : i32
    %dma_wait3A_32 = tpu.memref_slice %arg4[%add3A, %dma_wait3A_30, %dma_wait3A_31] : memref<32x125x80xi32, #tpu.memory_space<hbm>> -> memref<1x125x80xi32, #tpu.memory_space<hbm>>
    %dma_wait3A_33 = tpu.memref_squeeze %dma_wait3A_32 : memref<1x125x80xi32, #tpu.memory_space<hbm>> -> memref<125x80xi32, #tpu.memory_space<hbm>>
    %dma_wait3A_34 = arith.constant 0 : i32
    %dma_wait3A_35 = arith.constant 0 : i32
    %dma_wait3A_36 = tpu.memref_slice %arg4[%add3A, %dma_wait3A_34, %dma_wait3A_35] : memref<32x125x80xi32, #tpu.memory_space<hbm>> -> memref<1x125x80xi32, #tpu.memory_space<hbm>>
    %dma_wait3A_37 = tpu.memref_squeeze %dma_wait3A_36 : memref<1x125x80xi32, #tpu.memory_space<hbm>> -> memref<125x80xi32, #tpu.memory_space<hbm>>
    tpu.wait_dma2 semaphore(%arg12 : memref<!tpu.dma_semaphore, #tpu.memory_space<semaphore_mem>>) src(%dma_wait3A_37 : memref<125x80xi32, #tpu.memory_space<hbm>>) dst(%arg7 : memref<125x80xi32, #tpu.memory_space<vmem>>)
    %barrier3A = arith.constant 0 : index
    tpu.barrier barrier_id(%barrier3A)
    %dma_start3A_38 = arith.constant 0 : i32
    %dma_start3A_39 = tpu.memref_slice %arg6[%dma_start3A_38] : memref<10000xi32, #tpu.memory_space<vmem>> -> memref<80xi32, #tpu.memory_space<vmem>>
    %dma_start3A_40 = arith.constant 0 : i32
    %dma_start3A_41 = arith.constant 0 : i32
    %dma_start3A_42 = tpu.memref_slice %arg2[%dma_start3A_40, %dma_start3A_41] : memref<10000x128xf32, #tpu.memory_space<hbm>> -> memref<10000x128xf32, #tpu.memory_space<hbm>>
    tpu.enqueue_indirect_dma source(%dma_start3A_42 : memref<10000x128xf32, #tpu.memory_space<hbm>>) target(%arg8 : memref<80x128xf32, #tpu.memory_space<vmem>>) offsets(%dma_start3A_39 : memref<80xi32, #tpu.memory_space<vmem>>) semaphore(%arg11 : memref<!tpu.dma_semaphore, #tpu.memory_space<semaphore_mem>>)
    %dma_start3A_43 = arith.constant 80 : i32
    %dma_start3A_44 = tpu.memref_slice %arg6[%dma_start3A_43] : memref<10000xi32, #tpu.memory_space<vmem>> -> memref<80xi32, #tpu.memory_space<vmem>>
    %dma_start3A_45 = arith.constant 0 : i32
    %dma_start3A_46 = arith.constant 0 : i32
    %dma_start3A_47 = tpu.memref_slice %arg2[%dma_start3A_45, %dma_start3A_46] : memref<10000x128xf32, #tpu.memory_space<hbm>> -> memref<10000x128xf32, #tpu.memory_space<hbm>>
    tpu.enqueue_indirect_dma source(%dma_start3A_47 : memref<10000x128xf32, #tpu.memory_space<hbm>>) target(%arg9 : memref<80x128xf32, #tpu.memory_space<vmem>>) offsets(%dma_start3A_44 : memref<80xi32, #tpu.memory_space<vmem>>) semaphore(%arg12 : memref<!tpu.dma_semaphore, #tpu.memory_space<semaphore_mem>>)
    %scan3A_48 = arith.constant 0 : i32
    %scan3A_49 = arith.constant 63 : i32
    %scan3A_50 = arith.addi %scan3A_48, %scan3A_49 : i32
    %scan3A_51 = arith.constant 1 : i32
    scf.for %scan3A_64 = %scan3A_48 to %scan3A_50 step %scan3A_51  : i32 {
      %mul3A_65 = arith.constant 1 : i32
      %mul3A_66 = arith.muli %scan3A_64, %mul3A_65 : i32
      %add3A_67 = arith.constant 0 : i32
      %add3A_68 = arith.addi %add3A_67, %mul3A_66 : i32
      %mul3A_69 = arith.constant 2 : i32
      %mul3A_70 = arith.muli %add3A_68, %mul3A_69 : i32
      %mul3A_71 = arith.constant 80 : i32
      %mul3A_72 = arith.muli %mul3A_70, %mul3A_71 : i32
      %dma_wait3A_73 = tpu.memref_slice %arg6[%mul3A_72] : memref<10000xi32, #tpu.memory_space<vmem>> -> memref<80xi32, #tpu.memory_space<vmem>>
      %dma_wait3A_74 = arith.constant 0 : i32
      %dma_wait3A_75 = arith.constant 0 : i32
      %dma_wait3A_76 = tpu.memref_slice %arg2[%dma_wait3A_74, %dma_wait3A_75] : memref<10000x128xf32, #tpu.memory_space<hbm>> -> memref<10000x128xf32, #tpu.memory_space<hbm>>
      tpu.wait_indirect_dma semaphore(%arg11 : memref<!tpu.dma_semaphore, #tpu.memory_space<semaphore_mem>>) src(%dma_wait3A_76 : memref<10000x128xf32, #tpu.memory_space<hbm>>) dst(%arg8 : memref<80x128xf32, #tpu.memory_space<vmem>>)
      %dma_start3A_77 = arith.constant 0 : i32
      %dma_start3A_78 = tpu.memref_slice %arg7[%mul3A_70, %dma_start3A_77] : memref<125x80xi32, #tpu.memory_space<vmem>> -> memref<1x80xi32, #tpu.memory_space<vmem>>
      %dma_start3A_79 = tpu.memref_squeeze %dma_start3A_78 : memref<1x80xi32, #tpu.memory_space<vmem>> -> memref<80xi32, #tpu.memory_space<vmem>>
      %dma_start3A_80 = arith.constant 0 : i32
      %dma_start3A_81 = arith.constant 0 : i32
      %dma_start3A_82 = tpu.memref_slice %arg10[%dma_start3A_80, %dma_start3A_81] : memref<10000x128xf32, #tpu.memory_space<vmem_shared>> -> memref<10000x128xf32, #tpu.memory_space<vmem_shared>>
      tpu.enqueue_indirect_dma source(%arg8 : memref<80x128xf32, #tpu.memory_space<vmem>>) target(%dma_start3A_82 : memref<10000x128xf32, #tpu.memory_space<vmem_shared>>) offsets(%dma_start3A_79 : memref<80xi32, #tpu.memory_space<vmem>>) semaphore(%arg13 : memref<!tpu.dma_semaphore, #tpu.memory_space<semaphore_mem>>) {add = true}
      %add3A_83 = arith.constant 1 : i32
      %add3A_84 = arith.addi %mul3A_70, %add3A_83 : i32
      %lt3A_85 = arith.constant 125 : i32
      %lt3A_86 = arith.cmpi slt, %add3A_84, %lt3A_85 : i32
      %convert_element_type3A_87 = arith.extui %lt3A_86 : i1 to i32
      %cond3A_88 = arith.constant 0 : i32
      %cond3A_89 = arith.cmpi ne, %convert_element_type3A_87, %cond3A_88 : i32
      scf.if %cond3A_89 {
        %add3A_110 = arith.constant 1 : i32
        %add3A_111 = arith.addi %mul3A_70, %add3A_110 : i32
        %mul3A_112 = arith.constant 80 : i32
        %mul3A_113 = arith.muli %add3A_111, %mul3A_112 : i32
        %dma_wait3A_114 = tpu.memref_slice %arg6[%mul3A_113] : memref<10000xi32, #tpu.memory_space<vmem>> -> memref<80xi32, #tpu.memory_space<vmem>>
        %dma_wait3A_115 = arith.constant 0 : i32
        %dma_wait3A_116 = arith.constant 0 : i32
        %dma_wait3A_117 = tpu.memref_slice %arg2[%dma_wait3A_115, %dma_wait3A_116] : memref<10000x128xf32, #tpu.memory_space<hbm>> -> memref<10000x128xf32, #tpu.memory_space<hbm>>
        tpu.wait_indirect_dma semaphore(%arg12 : memref<!tpu.dma_semaphore, #tpu.memory_space<semaphore_mem>>) src(%dma_wait3A_117 : memref<10000x128xf32, #tpu.memory_space<hbm>>) dst(%arg9 : memref<80x128xf32, #tpu.memory_space<vmem>>)
        %add3A_118 = arith.constant 1 : i32
        %add3A_119 = arith.addi %mul3A_70, %add3A_118 : i32
        %dma_start3A_120 = arith.constant 0 : i32
        %dma_start3A_121 = tpu.memref_slice %arg7[%add3A_119, %dma_start3A_120] : memref<125x80xi32, #tpu.memory_space<vmem>> -> memref<1x80xi32, #tpu.memory_space<vmem>>
        %dma_start3A_122 = tpu.memref_squeeze %dma_start3A_121 : memref<1x80xi32, #tpu.memory_space<vmem>> -> memref<80xi32, #tpu.memory_space<vmem>>
        %dma_start3A_123 = arith.constant 0 : i32
        %dma_start3A_124 = arith.constant 0 : i32
        %dma_start3A_125 = tpu.memref_slice %arg10[%dma_start3A_123, %dma_start3A_124] : memref<10000x128xf32, #tpu.memory_space<vmem_shared>> -> memref<10000x128xf32, #tpu.memory_space<vmem_shared>>
        tpu.enqueue_indirect_dma source(%arg9 : memref<80x128xf32, #tpu.memory_space<vmem>>) target(%dma_start3A_125 : memref<10000x128xf32, #tpu.memory_space<vmem_shared>>) offsets(%dma_start3A_122 : memref<80xi32, #tpu.memory_space<vmem>>) semaphore(%arg14 : memref<!tpu.dma_semaphore, #tpu.memory_space<semaphore_mem>>) {add = true}
      } else {
      }
      %dma_wait3A_90 = arith.constant 0 : i32
      %dma_wait3A_91 = tpu.memref_slice %arg7[%mul3A_70, %dma_wait3A_90] : memref<125x80xi32, #tpu.memory_space<vmem>> -> memref<1x80xi32, #tpu.memory_space<vmem>>
      %dma_wait3A_92 = tpu.memref_squeeze %dma_wait3A_91 : memref<1x80xi32, #tpu.memory_space<vmem>> -> memref<80xi32, #tpu.memory_space<vmem>>
      %dma_wait3A_93 = arith.constant 0 : i32
      %dma_wait3A_94 = arith.constant 0 : i32
      %dma_wait3A_95 = tpu.memref_slice %arg10[%dma_wait3A_93, %dma_wait3A_94] : memref<10000x128xf32, #tpu.memory_space<vmem_shared>> -> memref<10000x128xf32, #tpu.memory_space<vmem_shared>>
      tpu.wait_indirect_dma semaphore(%arg13 : memref<!tpu.dma_semaphore, #tpu.memory_space<semaphore_mem>>) src(%arg8 : memref<80x128xf32, #tpu.memory_space<vmem>>) dst(%dma_wait3A_95 : memref<10000x128xf32, #tpu.memory_space<vmem_shared>>)
      %add3A_96 = arith.constant 2 : i32
      %add3A_97 = arith.addi %mul3A_70, %add3A_96 : i32
      %lt3A_98 = arith.constant 125 : i32
      %lt3A_99 = arith.cmpi slt, %add3A_97, %lt3A_98 : i32
      %convert_element_type3A_100 = arith.extui %lt3A_99 : i1 to i32
      %cond3A_101 = arith.constant 0 : i32
      %cond3A_102 = arith.cmpi ne, %convert_element_type3A_100, %cond3A_101 : i32
      scf.if %cond3A_102 {
        %add3A_110 = arith.constant 2 : i32
        %add3A_111 = arith.addi %mul3A_70, %add3A_110 : i32
        %mul3A_112 = arith.constant 80 : i32
        %mul3A_113 = arith.muli %add3A_111, %mul3A_112 : i32
        %dma_start3A_114 = tpu.memref_slice %arg6[%mul3A_113] : memref<10000xi32, #tpu.memory_space<vmem>> -> memref<80xi32, #tpu.memory_space<vmem>>
        %dma_start3A_115 = arith.constant 0 : i32
        %dma_start3A_116 = arith.constant 0 : i32
        %dma_start3A_117 = tpu.memref_slice %arg2[%dma_start3A_115, %dma_start3A_116] : memref<10000x128xf32, #tpu.memory_space<hbm>> -> memref<10000x128xf32, #tpu.memory_space<hbm>>
        tpu.enqueue_indirect_dma source(%dma_start3A_117 : memref<10000x128xf32, #tpu.memory_space<hbm>>) target(%arg8 : memref<80x128xf32, #tpu.memory_space<vmem>>) offsets(%dma_start3A_114 : memref<80xi32, #tpu.memory_space<vmem>>) semaphore(%arg11 : memref<!tpu.dma_semaphore, #tpu.memory_space<semaphore_mem>>)
      } else {
      }
      %add3A_103 = arith.constant 1 : i32
      %add3A_104 = arith.addi %mul3A_70, %add3A_103 : i32
      %lt3A_105 = arith.constant 125 : i32
      %lt3A_106 = arith.cmpi slt, %add3A_104, %lt3A_105 : i32
      %convert_element_type3A_107 = arith.extui %lt3A_106 : i1 to i32
      %cond3A_108 = arith.constant 0 : i32
      %cond3A_109 = arith.cmpi ne, %convert_element_type3A_107, %cond3A_108 : i32
      scf.if %cond3A_109 {
        %add3A_110 = arith.constant 1 : i32
        %add3A_111 = arith.addi %mul3A_70, %add3A_110 : i32
        %dma_wait3A_112 = arith.constant 0 : i32
        %dma_wait3A_113 = tpu.memref_slice %arg7[%add3A_111, %dma_wait3A_112] : memref<125x80xi32, #tpu.memory_space<vmem>> -> memref<1x80xi32, #tpu.memory_space<vmem>>
        %dma_wait3A_114 = tpu.memref_squeeze %dma_wait3A_113 : memref<1x80xi32, #tpu.memory_space<vmem>> -> memref<80xi32, #tpu.memory_space<vmem>>
        %dma_wait3A_115 = arith.constant 0 : i32
        %dma_wait3A_116 = arith.constant 0 : i32
        %dma_wait3A_117 = tpu.memref_slice %arg10[%dma_wait3A_115, %dma_wait3A_116] : memref<10000x128xf32, #tpu.memory_space<vmem_shared>> -> memref<10000x128xf32, #tpu.memory_space<vmem_shared>>
        tpu.wait_indirect_dma semaphore(%arg14 : memref<!tpu.dma_semaphore, #tpu.memory_space<semaphore_mem>>) src(%arg9 : memref<80x128xf32, #tpu.memory_space<vmem>>) dst(%dma_wait3A_117 : memref<10000x128xf32, #tpu.memory_space<vmem_shared>>)
        %add3A_118 = arith.constant 3 : i32
        %add3A_119 = arith.addi %mul3A_70, %add3A_118 : i32
        %lt3A_120 = arith.constant 125 : i32
        %lt3A_121 = arith.cmpi slt, %add3A_119, %lt3A_120 : i32
        %convert_element_type3A_122 = arith.extui %lt3A_121 : i1 to i32
        %cond3A_123 = arith.constant 0 : i32
        %cond3A_124 = arith.cmpi ne, %convert_element_type3A_122, %cond3A_123 : i32
        scf.if %cond3A_124 {
          %add3A_125 = arith.constant 3 : i32
          %add3A_126 = arith.addi %mul3A_70, %add3A_125 : i32
          %mul3A_127 = arith.constant 80 : i32
          %mul3A_128 = arith.muli %add3A_126, %mul3A_127 : i32
          %dma_start3A_129 = tpu.memref_slice %arg6[%mul3A_128] : memref<10000xi32, #tpu.memory_space<vmem>> -> memref<80xi32, #tpu.memory_space<vmem>>
          %dma_start3A_130 = arith.constant 0 : i32
          %dma_start3A_131 = arith.constant 0 : i32
          %dma_start3A_132 = tpu.memref_slice %arg2[%dma_start3A_130, %dma_start3A_131] : memref<10000x128xf32, #tpu.memory_space<hbm>> -> memref<10000x128xf32, #tpu.memory_space<hbm>>
          tpu.enqueue_indirect_dma source(%dma_start3A_132 : memref<10000x128xf32, #tpu.memory_space<hbm>>) target(%arg9 : memref<80x128xf32, #tpu.memory_space<vmem>>) offsets(%dma_start3A_129 : memref<80xi32, #tpu.memory_space<vmem>>) semaphore(%arg12 : memref<!tpu.dma_semaphore, #tpu.memory_space<semaphore_mem>>)
        } else {
        }
      } else {
      }
    }
    %scan3A_52 = arith.constant 63 : i32
    %barrier3A_53 = arith.constant 0 : index
    tpu.barrier barrier_id(%barrier3A_53)
    %lt3A_54 = arith.constant 15 : i32
    %lt3A_55 = arith.cmpi slt, %arg1, %lt3A_54 : i32
    %convert_element_type3A_56 = arith.extui %lt3A_55 : i1 to i32
    %cond3A_57 = arith.constant 0 : i32
    %cond3A_58 = arith.cmpi ne, %convert_element_type3A_56, %cond3A_57 : i32
    scf.if %cond3A_58 {
      %mul3A_64 = arith.constant 624 : i32
      %mul3A_65 = arith.muli %arg1, %mul3A_64 : i32
      %mul3A_66 = arith.constant 624 : i32
      %mul3A_67 = arith.muli %arg1, %mul3A_66 : i32
      "tpu.region"() ({
        %run_scoped3A = tpu.sem_alloc : memref<!tpu.dma_semaphore, #tpu.memory_space<semaphore_mem>>
        %dma_start3A_68 = arith.constant 0 : i32
        %dma_start3A_69 = tpu.memref_slice %arg5[%arg0, %mul3A_67, %dma_start3A_68] : memref<2x10000x128xf32, #tpu.memory_space<hbm>> -> memref<1x624x128xf32, #tpu.memory_space<hbm>>
        %dma_start3A_70 = tpu.memref_squeeze %dma_start3A_69 : memref<1x624x128xf32, #tpu.memory_space<hbm>> -> memref<624x128xf32, #tpu.memory_space<hbm>>
        %dma_start3A_71 = arith.constant 0 : i32
        %dma_start3A_72 = tpu.memref_slice %arg10[%mul3A_65, %dma_start3A_71] : memref<10000x128xf32, #tpu.memory_space<vmem_shared>> -> memref<624x128xf32, #tpu.memory_space<vmem_shared>>
        tpu.enqueue_dma source(%dma_start3A_72 : memref<624x128xf32, #tpu.memory_space<vmem_shared>>) target(%dma_start3A_70 : memref<624x128xf32, #tpu.memory_space<hbm>>) target_semaphore(%run_scoped3A : memref<!tpu.dma_semaphore, #tpu.memory_space<semaphore_mem>>)
        %dma_wait3A_73 = arith.constant 0 : i32
        %dma_wait3A_74 = tpu.memref_slice %arg5[%arg0, %mul3A_67, %dma_wait3A_73] : memref<2x10000x128xf32, #tpu.memory_space<hbm>> -> memref<1x624x128xf32, #tpu.memory_space<hbm>>
        %dma_wait3A_75 = tpu.memref_squeeze %dma_wait3A_74 : memref<1x624x128xf32, #tpu.memory_space<hbm>> -> memref<624x128xf32, #tpu.memory_space<hbm>>
        %dma_wait3A_76 = arith.constant 0 : i32
        %dma_wait3A_77 = tpu.memref_slice %arg10[%mul3A_65, %dma_wait3A_76] : memref<10000x128xf32, #tpu.memory_space<vmem_shared>> -> memref<624x128xf32, #tpu.memory_space<vmem_shared>>
        tpu.wait_dma2 semaphore(%run_scoped3A : memref<!tpu.dma_semaphore, #tpu.memory_space<semaphore_mem>>) src(%dma_wait3A_77 : memref<624x128xf32, #tpu.memory_space<vmem_shared>>) dst(%dma_wait3A_75 : memref<624x128xf32, #tpu.memory_space<hbm>>)
        tpu.yield
      }) : () -> ()
    } else {
    }
    %eq3A_59 = arith.constant 15 : i32
    %eq3A_60 = arith.cmpi eq, %arg1, %eq3A_59 : i32
    %convert_element_type3A_61 = arith.extui %eq3A_60 : i1 to i32
    %cond3A_62 = arith.constant 0 : i32
    %cond3A_63 = arith.cmpi ne, %convert_element_type3A_61, %cond3A_62 : i32
    scf.if %cond3A_63 {
      "tpu.region"() ({
        %run_scoped3A = tpu.sem_alloc : memref<!tpu.dma_semaphore, #tpu.memory_space<semaphore_mem>>
        %dma_start3A_64 = arith.constant 9360 : i32
        %dma_start3A_65 = arith.constant 0 : i32
        %dma_start3A_66 = tpu.memref_slice %arg5[%arg0, %dma_start3A_64, %dma_start3A_65] : memref<2x10000x128xf32, #tpu.memory_space<hbm>> -> memref<1x640x128xf32, #tpu.memory_space<hbm>>
        %dma_start3A_67 = tpu.memref_squeeze %dma_start3A_66 : memref<1x640x128xf32, #tpu.memory_space<hbm>> -> memref<640x128xf32, #tpu.memory_space<hbm>>
        %dma_start3A_68 = arith.constant 9360 : i32
        %dma_start3A_69 = arith.constant 0 : i32
        %dma_start3A_70 = tpu.memref_slice %arg10[%dma_start3A_68, %dma_start3A_69] : memref<10000x128xf32, #tpu.memory_space<vmem_shared>> -> memref<640x128xf32, #tpu.memory_space<vmem_shared>>
        tpu.enqueue_dma source(%dma_start3A_70 : memref<640x128xf32, #tpu.memory_space<vmem_shared>>) target(%dma_start3A_67 : memref<640x128xf32, #tpu.memory_space<hbm>>) target_semaphore(%run_scoped3A : memref<!tpu.dma_semaphore, #tpu.memory_space<semaphore_mem>>)
        %dma_wait3A_71 = arith.constant 9360 : i32
        %dma_wait3A_72 = arith.constant 0 : i32
        %dma_wait3A_73 = tpu.memref_slice %arg5[%arg0, %dma_wait3A_71, %dma_wait3A_72] : memref<2x10000x128xf32, #tpu.memory_space<hbm>> -> memref<1x640x128xf32, #tpu.memory_space<hbm>>
        %dma_wait3A_74 = tpu.memref_squeeze %dma_wait3A_73 : memref<1x640x128xf32, #tpu.memory_space<hbm>> -> memref<640x128xf32, #tpu.memory_space<hbm>>
        %dma_wait3A_75 = arith.constant 9360 : i32
        %dma_wait3A_76 = arith.constant 0 : i32
        %dma_wait3A_77 = tpu.memref_slice %arg10[%dma_wait3A_75, %dma_wait3A_76] : memref<10000x128xf32, #tpu.memory_space<vmem_shared>> -> memref<640x128xf32, #tpu.memory_space<vmem_shared>>
        tpu.wait_dma2 semaphore(%run_scoped3A : memref<!tpu.dma_semaphore, #tpu.memory_space<semaphore_mem>>) src(%dma_wait3A_77 : memref<640x128xf32, #tpu.memory_space<vmem_shared>>) dst(%dma_wait3A_74 : memref<640x128xf32, #tpu.memory_space<hbm>>)
        tpu.yield
      }) : () -> ()
    } else {
    }
    return
  }
}

#map = affine_map<(d0, d1) -> (0)>
#map1 = affine_map<(d0, d1) -> (0, 0)>
module attributes {stable_mosaic.version = 14 : i64} {
  func.func @_deg_kernel(%arg0: i32, %arg1: i32, %arg2: memref<320000xi32, #tpu.memory_space<hbm>>, %arg3: memref<32x10000xf32, #tpu.memory_space<hbm>>, %arg4: memref<2000xi32, #tpu.memory_space<vmem>>, %arg5: memref<10000xf32, #tpu.memory_space<vmem>>) attributes {dimension_semantics = [#tpu.dimension_semantics<core_parallel>, #tpu.dimension_semantics<subcore_parallel>], iteration_bounds = array<i64: 2, 16>, scalar_prefetch = 0 : i64, scratch_operands = 2 : i64, tpu.core_type = #tpu.core_type<sc_vector_subcore>, window_params = [{transform_indices = #map}, {transform_indices = #map1}]} {
    %mul3A = arith.constant 2 : i32
    %mul3A_0 = arith.muli %arg1, %mul3A : i32
    %add3A = arith.addi %mul3A_0, %arg0 : i32
    %broadcast_in_dim3A = arith.constant 1.000000e+00 : f32
    %broadcast_in_dim3A_1 = vector.broadcast %broadcast_in_dim3A : f32 to vector<16xf32>
    %scan3A = arith.constant 0 : i32
    %scan3A_2 = arith.constant 625 : i32
    %scan3A_3 = arith.addi %scan3A, %scan3A_2 : i32
    %scan3A_4 = arith.constant 1 : i32
    scf.for %scan3A_11 = %scan3A to %scan3A_3 step %scan3A_4  : i32 {
      %mul3A_12 = arith.constant 1 : i32
      %mul3A_13 = arith.muli %scan3A_11, %mul3A_12 : i32
      %add3A_14 = arith.constant 0 : i32
      %add3A_15 = arith.addi %add3A_14, %mul3A_13 : i32
      %broadcast_in_dim3A_16 = arith.constant 0.000000e+00 : f32
      %broadcast_in_dim3A_17 = vector.broadcast %broadcast_in_dim3A_16 : f32 to vector<16xf32>
      %mul3A_18 = arith.constant 16 : i32
      %mul3A_19 = arith.muli %add3A_15, %mul3A_18 : i32
      %swap3A = arith.index_cast %mul3A_19 : i32 to index
      %swap3A_20 = tpu.vector_load %arg5[%swap3A] {strides = array<i32>} : memref<10000xf32, #tpu.memory_space<vmem>>, vector<16xf32>,
      tpu.vector_store %arg5[%swap3A], %broadcast_in_dim3A_17 {strides = array<i32>} : memref<10000xf32, #tpu.memory_space<vmem>>, vector<16xf32>,
    }
    %scan3A_5 = arith.constant 625 : i32
    %scan3A_6 = arith.constant 0 : i32
    %scan3A_7 = arith.constant 5 : i32
    %scan3A_8 = arith.addi %scan3A_6, %scan3A_7 : i32
    %scan3A_9 = arith.constant 1 : i32
    scf.for %scan3A_11 = %scan3A_6 to %scan3A_8 step %scan3A_9  : i32 {
      %mul3A_12 = arith.constant 1 : i32
      %mul3A_13 = arith.muli %scan3A_11, %mul3A_12 : i32
      %add3A_14 = arith.constant 0 : i32
      %add3A_15 = arith.addi %add3A_14, %mul3A_13 : i32
      %mul3A_16 = arith.constant 10000 : i32
      %mul3A_17 = arith.muli %add3A, %mul3A_16 : i32
      %mul3A_18 = arith.constant 2000 : i32
      %mul3A_19 = arith.muli %add3A_15, %mul3A_18 : i32
      %add3A_20 = arith.addi %mul3A_17, %mul3A_19 : i32
      "tpu.region"() ({
        %run_scoped3A = tpu.sem_alloc : memref<!tpu.dma_semaphore, #tpu.memory_space<semaphore_mem>>
        %dma_start3A = tpu.memref_slice %arg2[%add3A_20] : memref<320000xi32, #tpu.memory_space<hbm>> -> memref<2000xi32, #tpu.memory_space<hbm>>
        %dma_start3A_26 = tpu.memref_slice %arg2[%add3A_20] : memref<320000xi32, #tpu.memory_space<hbm>> -> memref<2000xi32, #tpu.memory_space<hbm>>
        tpu.enqueue_dma source(%dma_start3A_26 : memref<2000xi32, #tpu.memory_space<hbm>>) target(%arg4 : memref<2000xi32, #tpu.memory_space<vmem>>) target_semaphore(%run_scoped3A : memref<!tpu.dma_semaphore, #tpu.memory_space<semaphore_mem>>)
        %dma_wait3A = tpu.memref_slice %arg2[%add3A_20] : memref<320000xi32, #tpu.memory_space<hbm>> -> memref<2000xi32, #tpu.memory_space<hbm>>
        %dma_wait3A_27 = tpu.memref_slice %arg2[%add3A_20] : memref<320000xi32, #tpu.memory_space<hbm>> -> memref<2000xi32, #tpu.memory_space<hbm>>
        tpu.wait_dma2 semaphore(%run_scoped3A : memref<!tpu.dma_semaphore, #tpu.memory_space<semaphore_mem>>) src(%dma_wait3A_27 : memref<2000xi32, #tpu.memory_space<hbm>>) dst(%arg4 : memref<2000xi32, #tpu.memory_space<vmem>>)
        tpu.yield
      }) : () -> ()
      %scan3A_21 = arith.constant 0 : i32
      %scan3A_22 = arith.constant 125 : i32
      %scan3A_23 = arith.addi %scan3A_21, %scan3A_22 : i32
      %scan3A_24 = arith.constant 1 : i32
      scf.for %scan3A_26 = %scan3A_21 to %scan3A_23 step %scan3A_24  : i32 {
        %mul3A_27 = arith.constant 1 : i32
        %mul3A_28 = arith.muli %scan3A_26, %mul3A_27 : i32
        %add3A_29 = arith.constant 0 : i32
        %add3A_30 = arith.addi %add3A_29, %mul3A_28 : i32
        %mul3A_31 = arith.constant 16 : i32
        %mul3A_32 = arith.muli %add3A_30, %mul3A_31 : i32
        %get3A = arith.index_cast %mul3A_32 : i32 to index
        %get3A_33 = tpu.vector_load %arg4[%get3A] {strides = array<i32>} : memref<2000xi32, #tpu.memory_space<vmem>>, vector<16xi32>,
        tpu.vector_store_idx %arg5[%get3A_33], %broadcast_in_dim3A_1 {add = true} : memref<10000xf32, #tpu.memory_space<vmem>>[vector<16xi32>], vector<16xf32>,
      }
      %scan3A_25 = arith.constant 125 : i32
    }
    %scan3A_10 = arith.constant 5 : i32
    "tpu.region"() ({
      %run_scoped3A = tpu.sem_alloc : memref<!tpu.dma_semaphore, #tpu.memory_space<semaphore_mem>>
      %dma_start3A = arith.constant 0 : i32
      %dma_start3A_11 = tpu.memref_slice %arg3[%add3A, %dma_start3A] : memref<32x10000xf32, #tpu.memory_space<hbm>> -> memref<1x10000xf32, #tpu.memory_space<hbm>>
      %dma_start3A_12 = tpu.memref_squeeze %dma_start3A_11 : memref<1x10000xf32, #tpu.memory_space<hbm>> -> memref<10000xf32, #tpu.memory_space<hbm>>
      %dma_start3A_13 = arith.constant 0 : i32
      %dma_start3A_14 = tpu.memref_slice %arg3[%add3A, %dma_start3A_13] : memref<32x10000xf32, #tpu.memory_space<hbm>> -> memref<1x10000xf32, #tpu.memory_space<hbm>>
      %dma_start3A_15 = tpu.memref_squeeze %dma_start3A_14 : memref<1x10000xf32, #tpu.memory_space<hbm>> -> memref<10000xf32, #tpu.memory_space<hbm>>
      tpu.enqueue_dma source(%arg5 : memref<10000xf32, #tpu.memory_space<vmem>>) target(%dma_start3A_15 : memref<10000xf32, #tpu.memory_space<hbm>>) target_semaphore(%run_scoped3A : memref<!tpu.dma_semaphore, #tpu.memory_space<semaphore_mem>>)
      %dma_wait3A = arith.constant 0 : i32
      %dma_wait3A_16 = tpu.memref_slice %arg3[%add3A, %dma_wait3A] : memref<32x10000xf32, #tpu.memory_space<hbm>> -> memref<1x10000xf32, #tpu.memory_space<hbm>>
      %dma_wait3A_17 = tpu.memref_squeeze %dma_wait3A_16 : memref<1x10000xf32, #tpu.memory_space<hbm>> -> memref<10000xf32, #tpu.memory_space<hbm>>
      %dma_wait3A_18 = arith.constant 0 : i32
      %dma_wait3A_19 = tpu.memref_slice %arg3[%add3A, %dma_wait3A_18] : memref<32x10000xf32, #tpu.memory_space<hbm>> -> memref<1x10000xf32, #tpu.memory_space<hbm>>
      %dma_wait3A_20 = tpu.memref_squeeze %dma_wait3A_19 : memref<1x10000xf32, #tpu.memory_space<hbm>> -> memref<10000xf32, #tpu.memory_space<hbm>>
      tpu.wait_dma2 semaphore(%run_scoped3A : memref<!tpu.dma_semaphore, #tpu.memory_space<semaphore_mem>>) src(%arg5 : memref<10000xf32, #tpu.memory_space<vmem>>) dst(%dma_wait3A_20 : memref<10000xf32, #tpu.memory_space<hbm>>)
      tpu.yield
    }) : () -> ()
    return
  }
}

module attributes {stable_mosaic.version = 14 : i64} {
  func.func @_tca_body(%arg0: i32, %arg1: memref<2000x128xf32, #tpu.memory_space<vmem>>, %arg2: memref<128x128xf32, #tpu.memory_space<vmem>>, %arg3: memref<2000x128xf32, #tpu.memory_space<vmem>>) attributes {dimension_semantics = [#tpu.dimension_semantics<arbitrary>], iteration_bounds = array<i64: 5>, scalar_prefetch = 0 : i64, scratch_operands = 0 : i64, tpu.core_type = #tpu.core_type<tc>, window_params = [{transform_indices = @transform_0, window_bounds = array<i64: 2000, 128>}, {pipeline_mode = #tpu.pipeline_mode<synchronous>, transform_indices = @transform_1, window_bounds = array<i64: 128, 128>}, {transform_indices = @transform_2, window_bounds = array<i64: 2000, 128>}]} {
    %get3A = arith.constant 0 : index
    %get3A_0 = arith.constant 0 : index
    %get3A_1 = vector.load %arg1[%get3A, %get3A_0] : memref<2000x128xf32, #tpu.memory_space<vmem>>, vector<2000x128xf32>
    %get3A_2 = arith.constant 0 : index
    %get3A_3 = arith.constant 0 : index
    %get3A_4 = vector.load %arg2[%get3A_2, %get3A_3] : memref<128x128xf32, #tpu.memory_space<vmem>>, vector<128x128xf32>
    %dot_general3A = arith.constant dense<0.000000e+00> : vector<2000x128xf32>
    %dot_general3A_5 = tpu.matmul %get3A_1, %get3A_4, %dot_general3A {dimension_numbers = #tpu.dot_dimension_numbers<[1], [0], [0], [1], [0, 0, 1, 1], [], []>, transpose_lhs_hint = false} : vector<2000x128xf32>, vector<128x128xf32>, vector<2000x128xf32> -> vector<2000x128xf32>
    %swap3A = arith.constant 0 : index
    %swap3A_6 = arith.constant 0 : index
    %swap3A_7 = vector.load %arg3[%swap3A, %swap3A_6] : memref<2000x128xf32, #tpu.memory_space<vmem>>, vector<2000x128xf32>
    tpu.vector_store %arg3[%swap3A, %swap3A_6], %dot_general3A_5 {strides = array<i32>} : memref<2000x128xf32, #tpu.memory_space<vmem>>, vector<2000x128xf32>,
    return
  }
  func.func @transform_0(%arg0: i32) -> (i32, i32) {
    %c0_i32 = arith.constant 0 : i32
    %c0_i32_0 = arith.constant 0 : i32
    return %arg0, %c0_i32 : i32, i32
  }
  func.func @transform_1(%arg0: i32) -> (i32, i32) {
    %c0_i32 = arith.constant 0 : i32
    %c0_i32_0 = arith.constant 0 : i32
    %c0_i32_1 = arith.constant 0 : i32
    return %c0_i32, %c0_i32_0 : i32, i32
  }
  func.func @transform_2(%arg0: i32) -> (i32, i32) {
    %c0_i32 = arith.constant 0 : i32
    %c0_i32_0 = arith.constant 0 : i32
    return %arg0, %c0_i32 : i32, i32
  }
}

module attributes {stable_mosaic.version = 14 : i64} {
  func.func @_tc1b_body(%arg0: i32, %arg1: memref<2000x32xf32, #tpu.memory_space<vmem>>, %arg2: memref<2000x128xf32, #tpu.memory_space<vmem>>, %arg3: memref<2000x128xf32, #tpu.memory_space<vmem>>) attributes {dimension_semantics = [#tpu.dimension_semantics<arbitrary>], iteration_bounds = array<i64: 5>, scalar_prefetch = 0 : i64, scratch_operands = 0 : i64, tpu.core_type = #tpu.core_type<tc>, window_params = [{transform_indices = @transform_0, window_bounds = array<i64: 2000, 32>}, {transform_indices = @transform_1, window_bounds = array<i64: 2000, 128>}, {transform_indices = @transform_2, window_bounds = array<i64: 2000, 128>}]} {
    %get3A = arith.constant 0 : index
    %get3A_0 = arith.constant 0 : index
    %get3A_1 = vector.load %arg2[%get3A, %get3A_0] : memref<2000x128xf32, #tpu.memory_space<vmem>>, vector<2000x128xf32>
    %get3A_2 = arith.constant 0 : index
    %get3A_3 = arith.constant 0 : index
    %get3A_4 = vector.load %arg1[%get3A_2, %get3A_3] : memref<2000x32xf32, #tpu.memory_space<vmem>>, vector<2000x32xf32>
    %reduce_sum3A = arith.constant dense<0.000000e+00> : vector<2000xf32>
    %reduce_sum3A_5 = vector.multi_reduction <add>, %get3A_4, %reduce_sum3A [1] : vector<2000x32xf32> to vector<2000xf32>
    %broadcast_in_dim3A = vector.shape_cast %reduce_sum3A_5 : vector<2000xf32> to vector<2000x1xf32>
    %add3A = arith.constant 1.000000e+00 : f32
    %add3A_6 = vector.broadcast %add3A : f32 to vector<2000x1xf32>
    %add3A_7 = arith.addf %add3A_6, %broadcast_in_dim3A : vector<2000x1xf32>
    %rsqrt3A = math.rsqrt %add3A_7 : vector<2000x1xf32>
    %mul3A = vector.broadcast %rsqrt3A : vector<2000x1xf32> to vector<2000x128xf32>
    %mul3A_8 = arith.mulf %get3A_1, %mul3A : vector<2000x128xf32>
    %swap3A = arith.constant 0 : index
    %swap3A_9 = arith.constant 0 : index
    %swap3A_10 = vector.load %arg3[%swap3A, %swap3A_9] : memref<2000x128xf32, #tpu.memory_space<vmem>>, vector<2000x128xf32>
    tpu.vector_store %arg3[%swap3A, %swap3A_9], %mul3A_8 {strides = array<i32>} : memref<2000x128xf32, #tpu.memory_space<vmem>>, vector<2000x128xf32>,
    return
  }
  func.func @transform_0(%arg0: i32) -> (i32, i32) {
    %c0_i32 = arith.constant 0 : i32
    %c0_i32_0 = arith.constant 0 : i32
    return %arg0, %c0_i32 : i32, i32
  }
  func.func @transform_1(%arg0: i32) -> (i32, i32) {
    %c0_i32 = arith.constant 0 : i32
    %c0_i32_0 = arith.constant 0 : i32
    return %arg0, %c0_i32 : i32, i32
  }
  func.func @transform_2(%arg0: i32) -> (i32, i32) {
    %c0_i32 = arith.constant 0 : i32
    %c0_i32_0 = arith.constant 0 : i32
    return %arg0, %c0_i32 : i32, i32
  }
}

module attributes {stable_mosaic.version = 14 : i64} {
  func.func @_tc2_body(%arg0: i32, %arg1: memref<2000x32xf32, #tpu.memory_space<vmem>>, %arg2: memref<2x2000x128xf32, #tpu.memory_space<vmem>>, %arg3: memref<2000x128xf32, #tpu.memory_space<vmem>>, %arg4: memref<128x128xf32, #tpu.memory_space<vmem>>, %arg5: memref<1x128xf32, #tpu.memory_space<vmem>>, %arg6: memref<2000x128xf32, #tpu.memory_space<vmem>>) attributes {dimension_semantics = [#tpu.dimension_semantics<arbitrary>], iteration_bounds = array<i64: 5>, scalar_prefetch = 0 : i64, scratch_operands = 0 : i64, tpu.core_type = #tpu.core_type<tc>, window_params = [{transform_indices = @transform_0, window_bounds = array<i64: 2000, 32>}, {transform_indices = @transform_1, window_bounds = array<i64: 2, 2000, 128>}, {transform_indices = @transform_2, window_bounds = array<i64: 2000, 128>}, {pipeline_mode = #tpu.pipeline_mode<synchronous>, transform_indices = @transform_3, window_bounds = array<i64: 128, 128>}, {pipeline_mode = #tpu.pipeline_mode<synchronous>, transform_indices = @transform_4, window_bounds = array<i64: 1, 128>}, {transform_indices = @transform_5, window_bounds = array<i64: 2000, 128>}]} {
    %get3A = arith.constant 0 : index
    %get3A_0 = arith.constant 0 : index
    %get3A_1 = vector.load %arg1[%get3A, %get3A_0] : memref<2000x32xf32, #tpu.memory_space<vmem>>, vector<2000x32xf32>
    %reduce_sum3A = arith.constant dense<0.000000e+00> : vector<2000xf32>
    %reduce_sum3A_2 = vector.multi_reduction <add>, %get3A_1, %reduce_sum3A [1] : vector<2000x32xf32> to vector<2000xf32>
    %broadcast_in_dim3A = vector.shape_cast %reduce_sum3A_2 : vector<2000xf32> to vector<2000x1xf32>
    %add3A = arith.constant 1.000000e+00 : f32
    %add3A_3 = vector.broadcast %add3A : f32 to vector<2000x1xf32>
    %add3A_4 = arith.addf %add3A_3, %broadcast_in_dim3A : vector<2000x1xf32>
    %rsqrt3A = math.rsqrt %add3A_4 : vector<2000x1xf32>
    %get3A_5 = arith.constant 0 : index
    %get3A_6 = arith.constant 0 : index
    %get3A_7 = arith.constant 0 : index
    %get3A_8 = vector.load %arg2[%get3A_5, %get3A_6, %get3A_7] : memref<2x2000x128xf32, #tpu.memory_space<vmem>>, vector<1x2000x128xf32>
    %get3A_9 = vector.shape_cast %get3A_8 : vector<1x2000x128xf32> to vector<2000x128xf32>
    %get3A_10 = arith.constant 1 : index
    %get3A_11 = arith.constant 0 : index
    %get3A_12 = arith.constant 0 : index
    %get3A_13 = vector.load %arg2[%get3A_10, %get3A_11, %get3A_12] : memref<2x2000x128xf32, #tpu.memory_space<vmem>>, vector<1x2000x128xf32>
    %get3A_14 = vector.shape_cast %get3A_13 : vector<1x2000x128xf32> to vector<2000x128xf32>
    %add3A_15 = arith.addf %get3A_9, %get3A_14 : vector<2000x128xf32>
    %get3A_16 = arith.constant 0 : index
    %get3A_17 = arith.constant 0 : index
    %get3A_18 = vector.load %arg3[%get3A_16, %get3A_17] : memref<2000x128xf32, #tpu.memory_space<vmem>>, vector<2000x128xf32>
    %add3A_19 = arith.addf %add3A_15, %get3A_18 : vector<2000x128xf32>
    %mul3A = vector.broadcast %rsqrt3A : vector<2000x1xf32> to vector<2000x128xf32>
    %mul3A_20 = arith.mulf %mul3A, %add3A_19 : vector<2000x128xf32>
    %get3A_21 = arith.constant 0 : index
    %get3A_22 = arith.constant 0 : index
    %get3A_23 = vector.load %arg5[%get3A_21, %get3A_22] : memref<1x128xf32, #tpu.memory_space<vmem>>, vector<1x128xf32>
    %add3A_24 = vector.broadcast %get3A_23 : vector<1x128xf32> to vector<2000x128xf32>
    %add3A_25 = arith.addf %mul3A_20, %add3A_24 : vector<2000x128xf32>
    %max3A = arith.constant 0.000000e+00 : f32
    %max3A_26 = vector.broadcast %max3A : f32 to vector<2000x128xf32>
    %max3A_27 = arith.maximumf %add3A_25, %max3A_26 : vector<2000x128xf32>
    %get3A_28 = arith.constant 0 : index
    %get3A_29 = arith.constant 0 : index
    %get3A_30 = vector.load %arg4[%get3A_28, %get3A_29] : memref<128x128xf32, #tpu.memory_space<vmem>>, vector<128x128xf32>
    %dot_general3A = arith.constant dense<0.000000e+00> : vector<2000x128xf32>
    %dot_general3A_31 = tpu.matmul %max3A_27, %get3A_30, %dot_general3A {dimension_numbers = #tpu.dot_dimension_numbers<[1], [0], [0], [1], [0, 0, 1, 1], [], []>, transpose_lhs_hint = false} : vector<2000x128xf32>, vector<128x128xf32>, vector<2000x128xf32> -> vector<2000x128xf32>
    %mul3A_32 = vector.broadcast %rsqrt3A : vector<2000x1xf32> to vector<2000x128xf32>
    %mul3A_33 = arith.mulf %dot_general3A_31, %mul3A_32 : vector<2000x128xf32>
    %swap3A = arith.constant 0 : index
    %swap3A_34 = arith.constant 0 : index
    %swap3A_35 = vector.load %arg6[%swap3A, %swap3A_34] : memref<2000x128xf32, #tpu.memory_space<vmem>>, vector<2000x128xf32>
    tpu.vector_store %arg6[%swap3A, %swap3A_34], %mul3A_33 {strides = array<i32>} : memref<2000x128xf32, #tpu.memory_space<vmem>>, vector<2000x128xf32>,
    return
  }
  func.func @transform_0(%arg0: i32) -> (i32, i32) {
    %c0_i32 = arith.constant 0 : i32
    %c0_i32_0 = arith.constant 0 : i32
    return %arg0, %c0_i32 : i32, i32
  }
  func.func @transform_1(%arg0: i32) -> (i32, i32, i32) {
    %c0_i32 = arith.constant 0 : i32
    %c0_i32_0 = arith.constant 0 : i32
    %c0_i32_1 = arith.constant 0 : i32
    return %c0_i32, %arg0, %c0_i32_0 : i32, i32, i32
  }
  func.func @transform_2(%arg0: i32) -> (i32, i32) {
    %c0_i32 = arith.constant 0 : i32
    %c0_i32_0 = arith.constant 0 : i32
    return %arg0, %c0_i32 : i32, i32
  }
  func.func @transform_3(%arg0: i32) -> (i32, i32) {
    %c0_i32 = arith.constant 0 : i32
    %c0_i32_0 = arith.constant 0 : i32
    %c0_i32_1 = arith.constant 0 : i32
    return %c0_i32, %c0_i32_0 : i32, i32
  }
  func.func @transform_4(%arg0: i32) -> (i32, i32) {
    %c0_i32 = arith.constant 0 : i32
    %c0_i32_0 = arith.constant 0 : i32
    %c0_i32_1 = arith.constant 0 : i32
    return %c0_i32, %c0_i32_0 : i32, i32
  }
  func.func @transform_5(%arg0: i32) -> (i32, i32) {
    %c0_i32 = arith.constant 0 : i32
    %c0_i32_0 = arith.constant 0 : i32
    return %arg0, %c0_i32 : i32, i32
  }
}

module attributes {stable_mosaic.version = 14 : i64} {
  func.func @_tc3_body(%arg0: i32, %arg1: memref<2000x32xf32, #tpu.memory_space<vmem>>, %arg2: memref<2x2000x128xf32, #tpu.memory_space<vmem>>, %arg3: memref<2000x128xf32, #tpu.memory_space<vmem>>, %arg4: memref<1x128xf32, #tpu.memory_space<vmem>>, %arg5: memref<2000x128xf32, #tpu.memory_space<vmem>>) attributes {dimension_semantics = [#tpu.dimension_semantics<arbitrary>], iteration_bounds = array<i64: 5>, scalar_prefetch = 0 : i64, scratch_operands = 0 : i64, tpu.core_type = #tpu.core_type<tc>, window_params = [{transform_indices = @transform_0, window_bounds = array<i64: 2000, 32>}, {transform_indices = @transform_1, window_bounds = array<i64: 2, 2000, 128>}, {transform_indices = @transform_2, window_bounds = array<i64: 2000, 128>}, {pipeline_mode = #tpu.pipeline_mode<synchronous>, transform_indices = @transform_3, window_bounds = array<i64: 1, 128>}, {transform_indices = @transform_4, window_bounds = array<i64: 2000, 128>}]} {
    %get3A = arith.constant 0 : index
    %get3A_0 = arith.constant 0 : index
    %get3A_1 = vector.load %arg1[%get3A, %get3A_0] : memref<2000x32xf32, #tpu.memory_space<vmem>>, vector<2000x32xf32>
    %reduce_sum3A = arith.constant dense<0.000000e+00> : vector<2000xf32>
    %reduce_sum3A_2 = vector.multi_reduction <add>, %get3A_1, %reduce_sum3A [1] : vector<2000x32xf32> to vector<2000xf32>
    %broadcast_in_dim3A = vector.shape_cast %reduce_sum3A_2 : vector<2000xf32> to vector<2000x1xf32>
    %add3A = arith.constant 1.000000e+00 : f32
    %add3A_3 = vector.broadcast %add3A : f32 to vector<2000x1xf32>
    %add3A_4 = arith.addf %add3A_3, %broadcast_in_dim3A : vector<2000x1xf32>
    %rsqrt3A = math.rsqrt %add3A_4 : vector<2000x1xf32>
    %get3A_5 = arith.constant 0 : index
    %get3A_6 = arith.constant 0 : index
    %get3A_7 = arith.constant 0 : index
    %get3A_8 = vector.load %arg2[%get3A_5, %get3A_6, %get3A_7] : memref<2x2000x128xf32, #tpu.memory_space<vmem>>, vector<1x2000x128xf32>
    %get3A_9 = vector.shape_cast %get3A_8 : vector<1x2000x128xf32> to vector<2000x128xf32>
    %get3A_10 = arith.constant 1 : index
    %get3A_11 = arith.constant 0 : index
    %get3A_12 = arith.constant 0 : index
    %get3A_13 = vector.load %arg2[%get3A_10, %get3A_11, %get3A_12] : memref<2x2000x128xf32, #tpu.memory_space<vmem>>, vector<1x2000x128xf32>
    %get3A_14 = vector.shape_cast %get3A_13 : vector<1x2000x128xf32> to vector<2000x128xf32>
    %add3A_15 = arith.addf %get3A_9, %get3A_14 : vector<2000x128xf32>
    %get3A_16 = arith.constant 0 : index
    %get3A_17 = arith.constant 0 : index
    %get3A_18 = vector.load %arg3[%get3A_16, %get3A_17] : memref<2000x128xf32, #tpu.memory_space<vmem>>, vector<2000x128xf32>
    %add3A_19 = arith.addf %add3A_15, %get3A_18 : vector<2000x128xf32>
    %mul3A = vector.broadcast %rsqrt3A : vector<2000x1xf32> to vector<2000x128xf32>
    %mul3A_20 = arith.mulf %mul3A, %add3A_19 : vector<2000x128xf32>
    %get3A_21 = arith.constant 0 : index
    %get3A_22 = arith.constant 0 : index
    %get3A_23 = vector.load %arg4[%get3A_21, %get3A_22] : memref<1x128xf32, #tpu.memory_space<vmem>>, vector<1x128xf32>
    %add3A_24 = vector.broadcast %get3A_23 : vector<1x128xf32> to vector<2000x128xf32>
    %add3A_25 = arith.addf %mul3A_20, %add3A_24 : vector<2000x128xf32>
    %swap3A = arith.constant 0 : index
    %swap3A_26 = arith.constant 0 : index
    %swap3A_27 = vector.load %arg5[%swap3A, %swap3A_26] : memref<2000x128xf32, #tpu.memory_space<vmem>>, vector<2000x128xf32>
    tpu.vector_store %arg5[%swap3A, %swap3A_26], %add3A_25 {strides = array<i32>} : memref<2000x128xf32, #tpu.memory_space<vmem>>, vector<2000x128xf32>,
    return
  }
  func.func @transform_0(%arg0: i32) -> (i32, i32) {
    %c0_i32 = arith.constant 0 : i32
    %c0_i32_0 = arith.constant 0 : i32
    return %arg0, %c0_i32 : i32, i32
  }
  func.func @transform_1(%arg0: i32) -> (i32, i32, i32) {
    %c0_i32 = arith.constant 0 : i32
    %c0_i32_0 = arith.constant 0 : i32
    %c0_i32_1 = arith.constant 0 : i32
    return %c0_i32, %arg0, %c0_i32_0 : i32, i32, i32
  }
  func.func @transform_2(%arg0: i32) -> (i32, i32) {
    %c0_i32 = arith.constant 0 : i32
    %c0_i32_0 = arith.constant 0 : i32
    return %arg0, %c0_i32 : i32, i32
  }
  func.func @transform_3(%arg0: i32) -> (i32, i32) {
    %c0_i32 = arith.constant 0 : i32
    %c0_i32_0 = arith.constant 0 : i32
    %c0_i32_1 = arith.constant 0 : i32
    return %c0_i32, %c0_i32_0 : i32, i32
  }
  func.func @transform_4(%arg0: i32) -> (i32, i32) {
    %c0_i32 = arith.constant 0 : i32
    %c0_i32_0 = arith.constant 0 : i32
    return %arg0, %c0_i32 : i32, i32
  }
}

</mosaic_0001>

<sc_bundles>
// kernel: kernel.12.cloned.1.call-start
scs
__scs_entry_jumppad:
0x0: {  	(pc) =	sbr.rel $0x88, $3  }
0x1: {  	(tag) =	ssettag $0x0;
	lr =	simm.s32 $0x1  }
0x2: {  	[smem:$0x3F9B] =	sst lr;
	_ =	strace $0xD0000000  }
0x3: {  	_ = 	snop  }
0x4: {  	_ = 	snop  }
0x5: {  	_ = 	snop  }
0x6: {  	_ = 	snop  }
0x7: {  	_ = 	snop  }
__scs_overlays_trampoline_lowered:
0x8: {  	[smem:$0x3FAA] =	sst s0  }
0x9: {  	[smem:$0x3FAB] =	sst s1  }
0xa: {  	[smem:$0x3FAC] =	sst s2  }
0xb: {  	[smem:$0x3FAD] =	sst s3  }
0xc: {  	[smem:$0x3FAE] =	sst s4  }
0xd: {  	[smem:$0x3FAF] =	sst s5  }
0xe: {  	[smem:$0x3FB0] =	sst s6  }
0xf: {  	[smem:$0x3FB1] =	sst s7  }
0x10: {  	[smem:$0x3FB2] =	sst s8  }
0x11: {  	[smem:$0x3FB3] =	sst s9;
	s0 =	simm.s32 @!p0 $0x0  }
0x12: {  	s1 =	sld [smem:$0x3F99];
	s0 =	simm.s32 @p0 $0x1  }
0x13: {  	[smem:$0x3FB4] =	sst s0;
	s0 =	simm.s32 @!p1 $0x0  }
0x14: {  	s2 =	sld [smem:$0x3F98];
	s0 =	simm.s32 @p1 $0x1  }
0x15: {  	[smem:$0x3FB5] =	sst s0;
	s0 =	simm.s32 @!p2 $0x0  }
0x16: {  	s3 =	sld [smem:$0x3FDB];
	s0 =	simm.s32 @p2 $0x1  }
0x17: {  	s4 =	simm.s32 $0x1BF5;
	[smem:$0x3FB7] =	sst s0  }
0x18: {  	s0 =	sld [smem:$0x3F9A];
	_ =	swait.ge [sflag:s4], $0x0  }
0x19: {  	s7 =	sld [smem:$0x3F9B]  }
0x1a: {  	s8 =	sadd.s32 $0xFFFFE003, lr  }
0x1b: {  	s9 =	sadd.s32 $0xFFFFFEF7, lr;
	s5 =	simm.s32 $0xFFFFFFFF;
	p2 =	slt.u32 s8, $0xFFFFF086  }
0x1c: {  	p1 =	slt.u32 s9, $0xF7A;
	s5 =	simm.s32 @!p2 $0x0  }
0x1d: {  	s5 =	simm.s32 @p1 $0x1;
	p0 =	seq.s32 s7, s2  }
0x1e: {  	s7 =	smul.u32 @!p0 $0xF7A, s2;
	p2 =	seq.s32 @!p0 s5, $0x0  }
0x1f: {  	s9 =	smul.u32 $0xF7A, s1;
	s8 =	simm.s32 @!p0 $0x1BF5;
	p2 =	por !p2, p0  }
0x20: {  	[sflag:s8] =	ssyncset.s32 @!p0 $0xFFFFF086;
	s6 =	sadd.s32 @!p0 s3, s7;
	s7 =	simm.s32 @!p0 $0x108  }
0x21: {  	s3 =	sadd.s32 s3, s9;
	s6 =	sadd.s32 @!p0 $0x88, s6;
	s7 =	simm.s32 @p2 $0x1082  }
0x22: {  	[simem:s7], [sflag:s8] =	dma.local @!p0 [hbm:s6], $0xF7A  }
0x23: {  	s9 =	sor.u32 $0xD0000000, s2;
	s6 =	simm.s32 $0x108;
	_ =	swait.ge @!p0 [sflag:s8], $0x0  }
0x24: {  	s3 =	sadd.s32 $0x88, s3;
	s6 =	simm.s32 @!p1 $0x1082;
	[sflag:s4] =	ssyncset.s32 $0xFFFFF086  }
0x25: {  	[simem:s6], [sflag:s4] =	dma.local [hbm:s3], $0xF7A  }
0x26: {  	[smem:$0x3F9B] =	sst s1;
	(tag) =	ssettag s2;
	_ =	strace s9  }
0x27: {  	s1 =	sld [smem:$0x3FAB]  }
0x28: {  	s2 =	sld [smem:$0x3FAC]  }
0x29: {  	s4 =	sld [smem:$0x3FAE]  }
0x2a: {  	p0 =	seq.s32 s5, $0x0;
	s5 =	sld [smem:$0x3FAF]  }
0x2b: {  	s6 =	sld [smem:$0x3FB0]  }
0x2c: {  	s7 =	sld [smem:$0x3FB1]  }
0x2d: {  	s3 =	simm.s32 $0x108;
	s8 =	sld [smem:$0x3FB2]  }
0x2e: {  	s3 =	simm.s32 @!p0 $0x1082;
	s9 =	sld [smem:$0x3FB3]  }
0x2f: {  	lr =	sadd.s32 s0, s3;
	s0 =	sld [smem:$0x3FAA]  }
0x30: {  	s3 =	sld [smem:$0x3FAD]  }
0x31: {  	[smem:$0x3FB6] =	sst s10  }
0x32: {  	s10 =	sld [smem:$0x3FB4];
	_ =	sdelay $0x3  }
0x33: {  	p0 =	seq.s32 s10, $0x1;
	s10 =	sld [smem:$0x3FB6];
	_ =	sdelay $0x3  }
0x34: {  	[smem:$0x3FB6] =	sst s10  }
0x35: {  	s10 =	sld [smem:$0x3FB5];
	_ =	sdelay $0x3  }
0x36: {  	p1 =	seq.s32 s10, $0x1;
	s10 =	sld [smem:$0x3FB6];
	_ =	sdelay $0x3  }
0x37: {  	[smem:$0x3FB6] =	sst s10  }
0x38: {  	s10 =	sld [smem:$0x3FB7]  }
0x39: {  	_ = 	snop;
	(pc) =	sbr.ind lr, $3  }
0x3a: {  	_ = 	snop  }
0x3b: {  	_ = 	snop  }
0x3c: {  	p2 =	seq.s32 s10, $0x1;
	s10 =	sld [smem:$0x3FB6]  }
0x3d: {  	_ =	shalt  }
0x3e: {  	_ =	shalt  }
0x3f: {  	_ =	shalt  }
0x40: {  	_ =	shalt  }
0x41: {  	_ =	shalt  }
0x42: {  	_ =	shalt  }
0x43: {  	_ =	shalt  }
0x44: {  	_ =	shalt  }
0x45: {  	_ =	shalt  }
0x46: {  	_ =	shalt  }
0x47: {  	_ =	shalt  }
0x48: {  	_ =	shalt  }
0x49: {  	_ =	shalt  }
0x4a: {  	_ =	shalt  }
0x4b: {  	_ =	shalt  }
0x4c: {  	_ =	shalt  }
0x4d: {  	_ =	shalt  }
0x4e: {  	_ =	shalt  }
0x4f: {  	_ =	shalt  }
0x50: {  	_ =	shalt  }
0x51: {  	_ =	shalt  }
0x52: {  	_ =	shalt  }
0x53: {  	_ =	shalt  }
0x54: {  	_ =	shalt  }
0x55: {  	_ =	shalt  }
0x56: {  	_ =	shalt  }
0x57: {  	_ =	shalt  }
0x58: {  	_ =	shalt  }
0x59: {  	_ =	shalt  }
0x5a: {  	_ =	shalt  }
0x5b: {  	_ =	shalt  }
0x5c: {  	_ =	shalt  }
0x5d: {  	_ =	shalt  }
0x5e: {  	_ =	shalt  }
0x5f: {  	_ =	shalt  }
0x60: {  	_ =	shalt  }
0x61: {  	_ =	shalt  }
0x62: {  	_ =	shalt  }
0x63: {  	_ =	shalt  }
0x64: {  	_ =	shalt  }
0x65: {  	_ =	shalt  }
0x66: {  	_ =	shalt  }
0x67: {  	_ =	shalt  }
0x68: {  	_ =	shalt  }
0x69: {  	_ =	shalt  }
0x6a: {  	_ =	shalt  }
0x6b: {  	_ =	shalt  }
0x6c: {  	_ =	shalt  }
0x6d: {  	_ =	shalt  }
0x6e: {  	_ =	shalt  }
0x6f: {  	_ =	shalt  }
0x70: {  	_ =	shalt  }
0x71: {  	_ =	shalt  }
0x72: {  	_ =	shalt  }
0x73: {  	_ =	shalt  }
0x74: {  	_ =	shalt  }
0x75: {  	_ =	shalt  }
0x76: {  	_ =	shalt  }
0x77: {  	_ =	shalt  }
0x78: {  	_ =	shalt  }
0x79: {  	_ =	shalt  }
0x7a: {  	_ =	shalt  }
0x7b: {  	_ =	shalt  }
0x7c: {  	_ =	shalt  }
0x7d: {  	_ =	shalt  }
0x7e: {  	_ =	shalt  }
0x7f: {  	_ =	shalt  }
0x80: {  	_ =	shalt  }
0x81: {  	_ =	shalt  }
0x82: {  	_ =	shalt  }
0x83: {  	_ =	shalt  }
0x84: {  	_ =	shalt  }
0x85: {  	_ =	shalt  }
0x86: {  	_ =	shalt  }
0x87: {  	_ =	shalt  }
.Lfunc_end0:
.L_simem_size_0:
called_computation.1_lowered:
.L_overlay_start_0:
0x88: {  	s2 =	sld [smem:$0x3FD9]  }
0x89: {  	s3 =	sld [smem:$0x3FFE];
	_ =	sdelay $0x1  }
0x8a: {  	s1 =	srdreg.scid  }
0x8b: {  	s0 =	sand.u32 $0x1, s1  }
0x8c: {  	s17 =	sshll.u32 s0, $0xA;
	s2 =	sadd.s32 s3, s2  }
0x8d: {  	s2 =	sadd.s32 s2, s17  }
0x8e: {  	[smem:$0x3FC2] =	sst s2  }
0x8f: {  	_ = 	snop  }
0x90: {  	s2 =	sld [smem:$0x3FD0];
	(tm) =	ssettm $0x1  }
0x91: {  	s18 =	sld [smem:$0x3FFB];
	_ =	sdelay $0x3  }
0x92: {  	_ =	strace s18  }
0x93: {  	s3 =	sld [smem:$0x3FFC];
	_ =	sdelay $0x3  }
0x94: {  	_ =	strace s3  }
0x95: {  	s3 =	sld [smem:$0x3FFD];
	_ =	sdelay $0x3  }
0x96: {  	_ =	strace s3  }
0x97: {  	_ =	strace $0x8FFFFFFF  }
0x98: {  	s19 =	sld [smem:$0x3FDB];
	_ =	sdelay $0x1  }
0x99: {  	s4 =	simm.s32 $_scs_section_size  }
0x9a: {  	s5 =	simm.s32 $_size__tile_overlayer_lowered;
	s6 =	simm.s32 $_tile_overlayer_lowered  }
0x9b: {  	s22 =	simm.s32 $0x1BFF;
	s21 =	sshll.u32 s6, $0x1;
	s3 =	sadd.s32 s4, s19  }
0x9c: {  	s7 =	simm.s32 $0x0;
	s20 =	sshll.u32 s5, $0x1;
	s5 =	sadd.s32 s21, s3  }
0x9d: {  	[timem:s7], [sflag:s22] =	dma.local [hbm:s5], s20  }
0x9e: {  	_ =	swait.ge [sflag:s22], s20  }
0x9f: {  	s4 =	ssub.s32 $0x0, s20;
	[sflag:s22] =	ssyncset.done $0x0  }
0xa0: {  	[sflag:s22] =	ssyncadd.s32 s4;
	_ =	sdelay $0x1  }
0xa1: {  	s23 =	simm.s32 $0x1B8B  }
0xa2: {  	_ =	swait.ge [sflag:s23], $0x1  }
0xa3: {  	[sflag:s23] =	ssyncset.done $0x0  }
0xa4: {  	s25 =	simm.s32 $0x1B8E;
	s24 =	sld [smem:$0x3FFE];
	[sflag:s23] =	ssyncadd.s32 $0xFFFFFFFF  }
0xa5: {  	s26 =	simm.s32 $execute0_lowered;
	[smem:$0x3FD2] =	sst s25  }
0xa6: {  	s5 =	sshll.u32 s26, $0x1;
	_ =	strace $0x80000049;
	[dreg:$0x1] =	wrdreg $0xFFFFFFFF  }
0xa7: {  	s28 =	simm.s32 $_size_execute0_lowered;
	s3 =	sadd.s32 s3, s5;
	[dreg:$0x0] =	wrdreg $0x0  }
0xa8: {  	s5 =	sshll.u32 s28, $0x1;
	[dreg:$0x2] =	wrdreg s3  }
0xa9: {  	[dreg:$0x3] =	wrdreg s5  }
0xaa: {  	[dreg:$0x4] =	wrdreg $0xC0  }
0xab: {  	_ =	task [dreg:s7], $0x5FFFF  }
0xac: {  	[dreg:$0x1] =	wrdreg $0xFFFFFFFF  }
0xad: {  	[dreg:$0x0] =	wrdreg $0x60  }
0xae: {  	[dreg:$0x2] =	wrdreg s2  }
0xaf: {  	[dreg:$0x3] =	wrdreg s24  }
0xb0: {  	[dreg:$0x4] =	wrdreg $0xB7800  }
0xb1: {  	[dreg:$0x5] =	wrdreg $0x9  }
0xb2: {  	_ =	task.clear_ibuf [dreg:s7], $0x6FFFF;
	_ =	strace $0x90000049  }
0xb3: {  	s29 =	simm.s32 $0x9;
	_ =	strace $0x8000004B  }
0xb4: {  	_ =	swait.ge [sflag:s29], $0x1  }
0xb5: {  	[sflag:s29] =	ssyncadd.s32 $0xFFFFFFFF  }
0xb6: {  	_ =	strace $0x9000004B  }
0xb7: {  	_ =	sfence  }
0xb8: {  	s30 =	sld [smem:$0x0];
	_ =	sdelay $0x2  }
0xb9: {  	s31 =	sshll.u32 s1, $0xD;
	s1 =	sshrl.u32 s1, $0x2  }
0xba: {  	s3 =	sand.u32 $0x4000, s31;
	s1 =	sadd.s32 s1, s30  }
0xbb: {  	s0 =	sor.u32 s3, s0;
	s1 =	sshll.u32 s1, $0x11  }
0xbc: {  	s0 =	sor.u32 s1, s0  }
0xbd: {  	s0 =	sadd.s32 $0x8F2B, s0  }
0xbe: {  	[sflag:s0] =	ssyncadd.remote.s32 $0x1  }
0xbf: {  	_ =	sfence.sel $0xFFFF  }
0xc0: {  	[dreg:$0x0] =	wrdreg $0xFFFFFFFF;
	(pc) =	sbr.abs _section_cstart, $3  }
0xc1: {  	[dreg:$0x1] =	wrdreg $0xFFFFFFFF  }
0xc2: {  	_ =	task.clear_ibuf [dreg:s7], $0x2FFFF;
	_ =	strace $0x9FFFFFFF  }
0xc3: {  	(tm) =	ssettm $0x7FFFFFFF  }
tec
execute0_lowered:
.L_overlay_start_1:
0x0: {  	(tag) =	ssettag $0x1  }
0x1: {  	s1 =	rddreg [dreg:$0x0]  }
0x2: {  	s0 =	rddreg [dreg:$0x1];
	s2 =	srdreg.scid  }
0x3: {  	s19 =	stileid.u32;
	s3 =	rddreg [dreg:$0x2]  }
0x4: {  	s4 =	simm.s32 $0x0;
	s20 =	simm.s32 $0x6780;
	s21 =	simm.s32 $0x5  }
0x5: {  	s22 =	simm.s32 $0x1;
	s23 =	simm.s32 $0x2;
	s24 =	simm.s32 $0x50  }
0x6: {  	s26 =	simm.s32 $0x8F80;
	s28 =	simm.s32 $0x3;
	s29 =	simm.s32 $0x4  }
0x7: {  	s2 =	sand.u32 $0x1, s2;
	s5 =	sshll.u32 s19, $0x1;
	s7 =	smul.u32 $0x4E000, s19  }
0x8: {  	[smem:$0x7FF] =	sst s4;
	s10 =	smul.u32 $0x13800, s19;
	p0 =	seq.s32 s19, $0xF  }
0x9: {  	s5 =	sor.u32 s2, s5;
	s30 =	ssub.s32 $0x2, s2;
	s2 =	smul.u32 $0x138800, s2  }
0xa: {  	_ =	strace $0x8000004A;
	s6 =	smul.u32 $0x4E2, s5;
	s5 =	sshll.u32 s5, $0xB  }
0xb: {  	s9 =	sshrl.u32 s30, $0x1;
	s7 =	sshrl.u32 s7, $0x2;
	s8 =	sadd.s32 s5, s0  }
0xc: {  	s12 =	ssub.s32 s30, s9;
	s7 =	sadd.s32 s7, s3;
	s31 =	sadd.s32 s10, s2  }
0xd: {  	s2 =	sshrl.u32 s2, $0x3;
	s9 =	sadd.s32 $0x136000, s3;
	s6 =	sadd.s32 s6, s0  }
0xe: {  	s0 =	sadd.s32 $0x26200, s0;
	s10 =	sshrl.u32 s31, $0x3;
	s12 =	smax.u32 s12, $0x1  }
0xf: {  	s13 =	sadd.s32 $0x2800, s7;
	s14 =	sadd.s32 $0x5000, s7;
	s15 =	sadd.s32 $0x7800, s7  }
0x10: {  	s16 =	sadd.s32 $0xA000, s7;
	s17 =	sadd.s32 $0xC800, s7;
	s18 =	sadd.s32 $0xF000, s7  }
0x11: {  	s5 =	sadd.s32 $0xC400, s6;
	s10 =	sadd.s32 s0, s10;
	s0 =	sadd.s32 s0, s2  }
0x12: {  	s6 =	sadd.s32 $0x16200, s8;
	s11 =	sadd.s32 $0x24900, s0;
	s0 =	sadd.s32 $0x124800, s3  }
0x13: {  	v0 =	vimm.f32 $0.0e+00;
	s8 =	sadd.s32 $0x11800, s7;
	s25 =	sshrl.u32 @p0 s0, $0x3;
	s0 =	simm.s32 $0x0  }
.LBB2_1:
0x14: {  	[tilespmem:s4], [sflag:$0x1] =	stream.linear.gather [hbm4b:s5+s4], $0x2710, $0x38;
	[tilespmem:$0x1F000] =	vst v63  }
0x15: {  	s2 =	simm.s32 $0x2780;
	s19 =	simm.s32 $0x70;
	s30 =	simm.s32 $0x3C0  }
0x16: {  	[tilespmem:s2], [sflag:$0x2] =	stream.linear.gather [hbm4b:s6+s4], $0x3E80, $0x38;
	[tilespmem:$0x1F000] =	vst v63  }
.LBB2_2:
0x17: {  	p1 =	sne.s32 s30, $0x9FC0;
	[tilespmem:s19+$0x6780] =	vst v0  }
0x18: {  	[tilespmem:s19+$0x6710] =	vst v0  }
0x19: {  	[tilespmem:s19+$0x6720] =	vst v0  }
.Ltmp0:
0x1a: {  	[tilespmem:s19+$0x6730] =	vst v0;
	(pc) =	sbr.rel @p1 .LBB2_2-.Ltmp0, $4  }
0x1b: {  	[tilespmem:s19+$0x6740] =	vst v0  }
0x1c: {  	[tilespmem:s19+$0x6750] =	vst v0  }
0x1d: {  	[tilespmem:s19+$0x6760] =	vst v0  }
0x1e: {  	[tilespmem:s19+$0x6770] =	vst v0;
	s19 =	sshra.s32 s30, $0x2;
	s30 =	sadd.s32 $0x200, s30  }
0x1f: {  	[tilespmem:s19+$0x6780] =	vst v0  }
0x20: {  	[tilespmem:s19+$0x6710] =	vst v0  }
0x21: {  	[tilespmem:s19+$0x6720] =	vst v0  }
0x22: {  	[tilespmem:s19+$0x6730] =	vst v0  }
0x23: {  	[tilespmem:s19+$0x6740] =	vst v0  }
0x24: {  	[tilespmem:s19+$0x6750] =	vst v0  }
0x25: {  	[tilespmem:s19+$0x6760] =	vst v0  }
0x26: {  	[tilespmem:s19+$0x6770] =	vst v0  }
0x27: {  	[spmem:s7] =	stream.linear.scatter [tilespmem:s20], [sflag:$0x5], $0x2800, $0x38;
	[tilespmem:$0x1F000] =	vst v63  }
0x28: {  	_ =	swait.ge [sflag:s21], $0x2800  }
0x29: {  	[sflag:s21] =	ssyncset.done $0x0  }
0x2a: {  	[sflag:s21] =	ssyncadd.s32 $0xFFFFD800  }
0x2b: {  	[spmem:s13] =	stream.linear.scatter [tilespmem:s20], [sflag:$0x5], $0x2800, $0x38;
	[tilespmem:$0x1F000] =	vst v63  }
0x2c: {  	_ =	swait.ge [sflag:s21], $0x2800  }
0x2d: {  	[sflag:s21] =	ssyncset.done $0x0  }
0x2e: {  	[sflag:s21] =	ssyncadd.s32 $0xFFFFD800  }
0x2f: {  	[spmem:s14] =	stream.linear.scatter [tilespmem:s20], [sflag:$0x5], $0x2800, $0x38;
	[tilespmem:$0x1F000] =	vst v63  }
0x30: {  	_ =	swait.ge [sflag:s21], $0x2800  }
0x31: {  	[sflag:s21] =	ssyncset.done $0x0  }
0x32: {  	[sflag:s21] =	ssyncadd.s32 $0xFFFFD800  }
0x33: {  	[spmem:s15] =	stream.linear.scatter [tilespmem:s20], [sflag:$0x5], $0x2800, $0x38;
	[tilespmem:$0x1F000] =	vst v63  }
0x34: {  	_ =	swait.ge [sflag:s21], $0x2800  }
0x35: {  	[sflag:s21] =	ssyncset.done $0x0  }
0x36: {  	[sflag:s21] =	ssyncadd.s32 $0xFFFFD800  }
0x37: {  	[spmem:s16] =	stream.linear.scatter [tilespmem:s20], [sflag:$0x5], $0x2800, $0x38;
	[tilespmem:$0x1F000] =	vst v63  }
0x38: {  	_ =	swait.ge [sflag:s21], $0x2800  }
0x39: {  	[sflag:s21] =	ssyncset.done $0x0  }
0x3a: {  	[sflag:s21] =	ssyncadd.s32 $0xFFFFD800  }
0x3b: {  	[spmem:s17] =	stream.linear.scatter [tilespmem:s20], [sflag:$0x5], $0x2800, $0x38;
	[tilespmem:$0x1F000] =	vst v63  }
0x3c: {  	_ =	swait.ge [sflag:s21], $0x2800  }
0x3d: {  	[sflag:s21] =	ssyncset.done $0x0  }
0x3e: {  	[sflag:s21] =	ssyncadd.s32 $0xFFFFD800  }
0x3f: {  	[spmem:s18] =	stream.linear.scatter [tilespmem:s20], [sflag:$0x5], $0x2800, $0x38;
	[tilespmem:$0x1F000] =	vst v63  }
0x40: {  	_ =	swait.ge [sflag:s21], $0x2800  }
0x41: {  	[sflag:s21] =	ssyncset.done $0x0  }
0x42: {  	s19 =	simm.s32 @p0 $0x6780;
	[sflag:s21] =	ssyncadd.s32 $0xFFFFD800  }
0x43: {  	[spmem:s9] =	stream.linear.scatter @p0 [tilespmem:s19], [sflag:$0x5], $0x2800, $0x38;
	[tilespmem:$0x1F000] =	vst v63  }
0x44: {  	s19 =	simm.s32 @p0 $0x5  }
0x45: {  	_ =	swait.ge @p0 [sflag:s19], $0x2800  }
0x46: {  	[sflag:s19] =	ssyncset.done @p0 $0x0  }
0x47: {  	[sflag:s19] =	ssyncadd.s32 @p0 $0xFFFFD800;
	s19 =	simm.s32 @!p0 $0x6780  }
0x48: {  	[spmem:s8] =	stream.linear.scatter @!p0 [tilespmem:s19], [sflag:$0x5], $0x2000, $0x38;
	[tilespmem:$0x1F000] =	vst v63  }
0x49: {  	s19 =	simm.s32 @!p0 $0x5  }
0x4a: {  	_ =	swait.ge @!p0 [sflag:s19], $0x2000  }
0x4b: {  	[sflag:s19] =	ssyncset.done @!p0 $0x0  }
0x4c: {  	[sflag:s19] =	ssyncadd.s32 @!p0 $0xFFFFE000  }
0x4d: {  	_ =	swait.ge [sflag:s22], $0x2710  }
0x4e: {  	[sflag:s22] =	ssyncset.done $0x0  }
0x4f: {  	[sflag:s22] =	ssyncadd.s32 $0xFFFFD8F0  }
0x50: {  	_ =	swait.ge [sflag:s23], $0x3E80  }
0x51: {  	[sflag:s23] =	ssyncset.done $0x0  }
0x52: {  	[sflag:s23] =	ssyncadd.s32 $0xFFFFC180  }
0x53: {  	s2 =	simm.s32 $0x0;
	[bflag:$0x0] =	sbarrier.arrive $0xFFFF  }
0x54: {  	[tilespmem:s20], [sflag:$0x1] =	stream.indirect.gather [hbm4b:s1+s24], $0x80, s2, s24, $0xb8;
	[tilespmem:$0x1F000] =	vst v63  }
0x55: {  	_ = 	snop  }
0x56: {  	[tilespmem:s26], [sflag:$0x2] =	stream.indirect.gather [hbm4b:s1+s24], $0x80, s24, s24, $0xb8;
	[tilespmem:$0x1F000] =	vst v63  }
0x57: {  	_ =	swait.ge [sflag:s22], $0x2800  }
0x58: {  	[sflag:s22] =	ssyncset.done $0x0  }
0x59: {  	s2 =	simm.s32 $0x2780;
	[sflag:s22] =	ssyncadd.s32 $0xFFFFD800  }
0x5a: {  	[spmem:s3] =	stream.indirect.scatter.add.f32 [tilespmem:s20], [sflag:$0x3], $0x80, s2, s24, $0xb8;
	[tilespmem:$0x1F000] =	vst v63  }
0x5b: {  	_ =	swait.ge [sflag:s23], $0x2800  }
0x5c: {  	[sflag:s23] =	ssyncset.done $0x0  }
0x5d: {  	s2 =	simm.s32 $0x2800;
	[sflag:s23] =	ssyncadd.s32 $0xFFFFD800  }
0x5e: {  	[spmem:s3] =	stream.indirect.scatter.add.f32 [tilespmem:s26], [sflag:$0x4], $0x80, s2, s24, $0xb8;
	[tilespmem:$0x1F000] =	vst v63  }
0x5f: {  	_ =	swait.ge [sflag:s28], $0x2800  }
0x60: {  	[sflag:s28] =	ssyncset.done $0x0  }
0x61: {  	s2 =	simm.s32 $0xA0;
	[sflag:s28] =	ssyncadd.s32 $0xFFFFD800  }
0x62: {  	[tilespmem:s20], [sflag:$0x1] =	stream.indirect.gather [hbm4b:s1+s24], $0x80, s2, s24, $0xb8;
	[tilespmem:$0x1F000] =	vst v63  }
0x63: {  	_ =	swait.ge [sflag:s29], $0x2800  }
0x64: {  	s30 =	simm.s32 $0x400;
	[sflag:s29] =	ssyncset.done $0x0  }
0x65: {  	s31 =	simm.s32 $0xF0;
	s19 =	simm.s32 $0x140;
	[sflag:s29] =	ssyncadd.s32 $0xFFFFD800  }
.LBB2_4:
0x66: {  	[tilespmem:s26], [sflag:$0x2] =	stream.indirect.gather [hbm4b:s1+s24], $0x80, s31, s24, $0xb8;
	[tilespmem:$0x1F000] =	vst v63  }
0x67: {  	s31 =	smov.u32 s30  }
0x68: {  	p1 =	sne.s32 s30, $0xF000;
	s30 =	sadd.s32 $0x400, s30;
	_ =	swait.ge [sflag:s22], $0x2800  }
0x69: {  	s31 =	sshra.s32 s31, $0x2;
	[sflag:s22] =	ssyncset.done $0x0  }
0x6a: {  	s2 =	sadd.s32 $0x2780, s31;
	[sflag:s22] =	ssyncadd.s32 $0xFFFFD800  }
0x6b: {  	[spmem:s3] =	stream.indirect.scatter.add.f32 [tilespmem:s20], [sflag:$0x3], $0x80, s2, s24, $0xb8;
	[tilespmem:$0x1F000] =	vst v63  }
0x6c: {  	_ =	swait.ge [sflag:s23], $0x2800  }
0x6d: {  	[sflag:s23] =	ssyncset.done $0x0  }
0x6e: {  	s2 =	sadd.s32 $0x2800, s31;
	[sflag:s23] =	ssyncadd.s32 $0xFFFFD800  }
0x6f: {  	[spmem:s3] =	stream.indirect.scatter.add.f32 [tilespmem:s26], [sflag:$0x4], $0x80, s2, s24, $0xb8;
	[tilespmem:$0x1F000] =	vst v63  }
0x70: {  	_ =	swait.ge [sflag:s28], $0x2800  }
0x71: {  	[sflag:s28] =	ssyncset.done $0x0  }
.Ltmp1:
0x72: {  	[sflag:s28] =	ssyncadd.s32 $0xFFFFD800;
	(pc) =	sbr.rel @p1 .LBB2_4-.Ltmp1, $4  }
0x73: {  	[tilespmem:s20], [sflag:$0x1] =	stream.indirect.gather [hbm4b:s1+s24], $0x80, s19, s24, $0xb8;
	[tilespmem:$0x1F000] =	vst v63  }
0x74: {  	_ =	swait.ge [sflag:s29], $0x2800  }
0x75: {  	[sflag:s29] =	ssyncset.done $0x0  }
0x76: {  	s31 =	sadd.s32 $0x50, s19;
	s19 =	sadd.s32 $0xA0, s19;
	[sflag:s29] =	ssyncadd.s32 $0xFFFFD800  }
0x77: {  	[tilespmem:s26], [sflag:$0x2] =	stream.indirect.gather [hbm4b:s1+s24], $0x80, s31, s24, $0xb8;
	[tilespmem:$0x1F000] =	vst v63  }
0x78: {  	_ =	swait.ge [sflag:s22], $0x2800  }
0x79: {  	[sflag:s22] =	ssyncset.done $0x0  }
0x7a: {  	s2 =	simm.s32 $0x6480;
	[sflag:s22] =	ssyncadd.s32 $0xFFFFD800  }
0x7b: {  	[spmem:s3] =	stream.indirect.scatter.add.f32 [tilespmem:s20], [sflag:$0x3], $0x80, s2, s24, $0xb8;
	[tilespmem:$0x1F000] =	vst v63  }
0x7c: {  	_ =	swait.ge [sflag:s23], $0x2800  }
0x7d: {  	[sflag:s23] =	ssyncset.done $0x0  }
0x7e: {  	s30 =	simm.s32 $0x6500;
	[sflag:s23] =	ssyncadd.s32 $0xFFFFD800  }
0x7f: {  	[spmem:s3] =	stream.indirect.scatter.add.f32 [tilespmem:s26], [sflag:$0x4], $0x80, s30, s24, $0xb8;
	[tilespmem:$0x1F000] =	vst v63  }
0x80: {  	_ =	swait.ge [sflag:s28], $0x2800  }
0x81: {  	[sflag:s28] =	ssyncset.done $0x0  }
0x82: {  	[sflag:s28] =	ssyncadd.s32 $0xFFFFD800  }
0x83: {  	[tilespmem:s20], [sflag:$0x1] =	stream.indirect.gather [hbm4b:s1+s24], $0x80, s19, s24, $0xb8;
	[tilespmem:$0x1F000] =	vst v63  }
0x84: {  	_ =	swait.ge [sflag:s29], $0x2800  }
0x85: {  	[sflag:s29] =	ssyncset.done $0x0  }
0x86: {  	[sflag:s29] =	ssyncadd.s32 $0xFFFFD800  }
0x87: {  	_ =	swait.ge [sflag:s22], $0x2800  }
0x88: {  	[sflag:s22] =	ssyncset.done $0x0  }
0x89: {  	s31 =	simm.s32 $0x6580;
	[sflag:s22] =	ssyncadd.s32 $0xFFFFD800  }
0x8a: {  	[spmem:s3] =	stream.indirect.scatter.add.f32 [tilespmem:s20], [sflag:$0x3], $0x80, s31, s24, $0xb8;
	[tilespmem:$0x1F000] =	vst v63  }
0x8b: {  	_ =	swait.ge [sflag:s28], $0x2800  }
0x8c: {  	[sflag:s28] =	ssyncset.done $0x0  }
0x8d: {  	[sflag:s28] =	ssyncadd.s32 $0xFFFFD800  }
0x8e: {  	s2 =	simm.s32 @p0 $0x1FC5;
	[bflag:$0x0] =	sbarrier.arrive $0xFFFF  }
0x8f: {  	[hbm:s11], [sflag:s2] =	dma.local @p0 [spmem:s25], $0x2800  }
0x90: {  	s2 =	simm.s32 @p0 $0x5  }
0x91: {  	s0 =	sadd.s32 $0x1, s0;
	s19 =	stileid.u32;
	_ =	swait.ge @p0 [sflag:s2], $0x2800  }
0x92: {  	p1 =	sne.s32 s0, s12;
	s19 =	sshll.u32 @!p0 s19, $0x6;
	[sflag:s2] =	ssyncset.done @p0 $0x0  }
0x93: {  	[sflag:s2] =	ssyncadd.s32 @p0 $0xFFFFD800;
	s2 =	sor.u32 @!p0 $0x1C05, s19;
	s19 =	sshrl.u32 @!p0 s7, $0x3  }
0x94: {  	[hbm:s10], [sflag:s2] =	dma.local @!p0 [spmem:s19], $0x2700  }
.Ltmp2:
0x95: {  	_ = 	snop;
	(pc) =	sbr.rel @p1 .LBB2_1-.Ltmp2, $4  }
0x96: {  	s2 =	simm.s32 @!p0 $0x5  }
0x97: {  	_ =	swait.ge @!p0 [sflag:s2], $0x2700  }
0x98: {  	[sflag:s2] =	ssyncset.done @!p0 $0x0  }
0x99: {  	[sflag:s2] =	ssyncadd.s32 @!p0 $0xFFFFD900  }
0x9a: {  	_ =	sfence.sel $0x180000  }
0x9b: {  	[bflag:$0x0] =	sbarrier.arrive $0xFFFF  }
0x9c: {  	_ =	strace $0x9000004A  }
0x9d: {  	s0 =	stileid.u32;
	[bflag:$0x2] =	sbarrier.arrive $0xFFFF  }
0x9e: {  	p0 =	sne.s32 s0, $0x0;
	s0 =	rddreg [dreg:$0x3]  }
0x9f: {  	s0 =	sadd.s32 @!p0 $0x100000, s0  }
0xa0: {  	[sflag:s0] =	ssyncadd.tile.s32 @!p0 $0x1;
	_ =	shalt  }
.Lfunc_end2:
_tile_overlayer_lowered:
.L_overlay_start_2:
0xa1: {  	(tag) =	ssettag $0x2  }
0xa2: {  	s0 =	rddreg [dreg:$0x0];
	s2 =	stileid.u32  }
0xa3: {  	s1 =	rddreg [dreg:$0x1];
	p0 =	sne.s32 s2, $0x0  }
0xa4: {  	s3 =	rddreg [dreg:$0x2];
	[bflag:$0x3] =	sbarrier.arrive $0xFFFF;
	s2 =	simm.s32 @!p0 $0x1C05  }
0xa5: {  	[timem:s3], [sflag:s2] =	dma.local @!p0 [hbm:s0], s1  }
0xa6: {  	s0 =	simm.s32 @!p0 $0x5  }
0xa7: {  	_ =	swait.ge @!p0 [sflag:s0], s1  }
0xa8: {  	s1 =	ssub.s32 @!p0 $0x0, s1;
	[sflag:s0] =	ssyncset.done @!p0 $0x0  }
0xa9: {  	[sflag:s0] =	ssyncadd.s32 @!p0 s1  }
0xaa: {  	[bflag:$0x3] =	sbarrier.arrive $0xFFFF  }
0xab: {  	_ =	shalt  }

// kernel: kernel.15.cloned.1.call-start
scs
__scs_entry_jumppad:
0x0: {  	(pc) =	sbr.rel $0x88, $3  }
0x1: {  	(tag) =	ssettag $0x0;
	lr =	simm.s32 $0x1  }
0x2: {  	[smem:$0x3F9B] =	sst lr;
	_ =	strace $0xD0000000  }
0x3: {  	_ = 	snop  }
0x4: {  	_ = 	snop  }
0x5: {  	_ = 	snop  }
0x6: {  	_ = 	snop  }
0x7: {  	_ = 	snop  }
__scs_overlays_trampoline_lowered:
0x8: {  	[smem:$0x3FAA] =	sst s0  }
0x9: {  	[smem:$0x3FAB] =	sst s1  }
0xa: {  	[smem:$0x3FAC] =	sst s2  }
0xb: {  	[smem:$0x3FAD] =	sst s3  }
0xc: {  	[smem:$0x3FAE] =	sst s4  }
0xd: {  	[smem:$0x3FAF] =	sst s5  }
0xe: {  	[smem:$0x3FB0] =	sst s6  }
0xf: {  	[smem:$0x3FB1] =	sst s7  }
0x10: {  	[smem:$0x3FB2] =	sst s8  }
0x11: {  	[smem:$0x3FB3] =	sst s9;
	s0 =	simm.s32 @!p0 $0x0  }
0x12: {  	s1 =	sld [smem:$0x3F99];
	s0 =	simm.s32 @p0 $0x1  }
0x13: {  	[smem:$0x3FB4] =	sst s0;
	s0 =	simm.s32 @!p1 $0x0  }
0x14: {  	s2 =	sld [smem:$0x3F98];
	s0 =	simm.s32 @p1 $0x1  }
0x15: {  	[smem:$0x3FB5] =	sst s0;
	s0 =	simm.s32 @!p2 $0x0  }
0x16: {  	s3 =	sld [smem:$0x3FDB];
	s0 =	simm.s32 @p2 $0x1  }
0x17: {  	s4 =	simm.s32 $0x1BF5;
	[smem:$0x3FB7] =	sst s0  }
0x18: {  	s0 =	sld [smem:$0x3F9A];
	_ =	swait.ge [sflag:s4], $0x0  }
0x19: {  	s7 =	sld [smem:$0x3F9B]  }
0x1a: {  	s8 =	sadd.s32 $0xFFFFE003, lr  }
0x1b: {  	s9 =	sadd.s32 $0xFFFFFEF7, lr;
	s5 =	simm.s32 $0xFFFFFFFF;
	p2 =	slt.u32 s8, $0xFFFFF086  }
0x1c: {  	p1 =	slt.u32 s9, $0xF7A;
	s5 =	simm.s32 @!p2 $0x0  }
0x1d: {  	s5 =	simm.s32 @p1 $0x1;
	p0 =	seq.s32 s7, s2  }
0x1e: {  	s7 =	smul.u32 @!p0 $0xF7A, s2;
	p2 =	seq.s32 @!p0 s5, $0x0  }
0x1f: {  	s9 =	smul.u32 $0xF7A, s1;
	s8 =	simm.s32 @!p0 $0x1BF5;
	p2 =	por !p2, p0  }
0x20: {  	[sflag:s8] =	ssyncset.s32 @!p0 $0xFFFFF086;
	s6 =	sadd.s32 @!p0 s3, s7;
	s7 =	simm.s32 @!p0 $0x108  }
0x21: {  	s3 =	sadd.s32 s3, s9;
	s6 =	sadd.s32 @!p0 $0x88, s6;
	s7 =	simm.s32 @p2 $0x1082  }
0x22: {  	[simem:s7], [sflag:s8] =	dma.local @!p0 [hbm:s6], $0xF7A  }
0x23: {  	s9 =	sor.u32 $0xD0000000, s2;
	s6 =	simm.s32 $0x108;
	_ =	swait.ge @!p0 [sflag:s8], $0x0  }
0x24: {  	s3 =	sadd.s32 $0x88, s3;
	s6 =	simm.s32 @!p1 $0x1082;
	[sflag:s4] =	ssyncset.s32 $0xFFFFF086  }
0x25: {  	[simem:s6], [sflag:s4] =	dma.local [hbm:s3], $0xF7A  }
0x26: {  	[smem:$0x3F9B] =	sst s1;
	(tag) =	ssettag s2;
	_ =	strace s9  }
0x27: {  	s1 =	sld [smem:$0x3FAB]  }
0x28: {  	s2 =	sld [smem:$0x3FAC]  }
0x29: {  	s4 =	sld [smem:$0x3FAE]  }
0x2a: {  	p0 =	seq.s32 s5, $0x0;
	s5 =	sld [smem:$0x3FAF]  }
0x2b: {  	s6 =	sld [smem:$0x3FB0]  }
0x2c: {  	s7 =	sld [smem:$0x3FB1]  }
0x2d: {  	s3 =	simm.s32 $0x108;
	s8 =	sld [smem:$0x3FB2]  }
0x2e: {  	s3 =	simm.s32 @!p0 $0x1082;
	s9 =	sld [smem:$0x3FB3]  }
0x2f: {  	lr =	sadd.s32 s0, s3;
	s0 =	sld [smem:$0x3FAA]  }
0x30: {  	s3 =	sld [smem:$0x3FAD]  }
0x31: {  	[smem:$0x3FB6] =	sst s10  }
0x32: {  	s10 =	sld [smem:$0x3FB4];
	_ =	sdelay $0x3  }
0x33: {  	p0 =	seq.s32 s10, $0x1;
	s10 =	sld [smem:$0x3FB6];
	_ =	sdelay $0x3  }
0x34: {  	[smem:$0x3FB6] =	sst s10  }
0x35: {  	s10 =	sld [smem:$0x3FB5];
	_ =	sdelay $0x3  }
0x36: {  	p1 =	seq.s32 s10, $0x1;
	s10 =	sld [smem:$0x3FB6];
	_ =	sdelay $0x3  }
0x37: {  	[smem:$0x3FB6] =	sst s10  }
0x38: {  	s10 =	sld [smem:$0x3FB7]  }
0x39: {  	_ = 	snop;
	(pc) =	sbr.ind lr, $3  }
0x3a: {  	_ = 	snop  }
0x3b: {  	_ = 	snop  }
0x3c: {  	p2 =	seq.s32 s10, $0x1;
	s10 =	sld [smem:$0x3FB6]  }
0x3d: {  	_ =	shalt  }
0x3e: {  	_ =	shalt  }
0x3f: {  	_ =	shalt  }
0x40: {  	_ =	shalt  }
0x41: {  	_ =	shalt  }
0x42: {  	_ =	shalt  }
0x43: {  	_ =	shalt  }
0x44: {  	_ =	shalt  }
0x45: {  	_ =	shalt  }
0x46: {  	_ =	shalt  }
0x47: {  	_ =	shalt  }
0x48: {  	_ =	shalt  }
0x49: {  	_ =	shalt  }
0x4a: {  	_ =	shalt  }
0x4b: {  	_ =	shalt  }
0x4c: {  	_ =	shalt  }
0x4d: {  	_ =	shalt  }
0x4e: {  	_ =	shalt  }
0x4f: {  	_ =	shalt  }
0x50: {  	_ =	shalt  }
0x51: {  	_ =	shalt  }
0x52: {  	_ =	shalt  }
0x53: {  	_ =	shalt  }
0x54: {  	_ =	shalt  }
0x55: {  	_ =	shalt  }
0x56: {  	_ =	shalt  }
0x57: {  	_ =	shalt  }
0x58: {  	_ =	shalt  }
0x59: {  	_ =	shalt  }
0x5a: {  	_ =	shalt  }
0x5b: {  	_ =	shalt  }
0x5c: {  	_ =	shalt  }
0x5d: {  	_ =	shalt  }
0x5e: {  	_ =	shalt  }
0x5f: {  	_ =	shalt  }
0x60: {  	_ =	shalt  }
0x61: {  	_ =	shalt  }
0x62: {  	_ =	shalt  }
0x63: {  	_ =	shalt  }
0x64: {  	_ =	shalt  }
0x65: {  	_ =	shalt  }
0x66: {  	_ =	shalt  }
0x67: {  	_ =	shalt  }
0x68: {  	_ =	shalt  }
0x69: {  	_ =	shalt  }
0x6a: {  	_ =	shalt  }
0x6b: {  	_ =	shalt  }
0x6c: {  	_ =	shalt  }
0x6d: {  	_ =	shalt  }
0x6e: {  	_ =	shalt  }
0x6f: {  	_ =	shalt  }
0x70: {  	_ =	shalt  }
0x71: {  	_ =	shalt  }
0x72: {  	_ =	shalt  }
0x73: {  	_ =	shalt  }
0x74: {  	_ =	shalt  }
0x75: {  	_ =	shalt  }
0x76: {  	_ =	shalt  }
0x77: {  	_ =	shalt  }
0x78: {  	_ =	shalt  }
0x79: {  	_ =	shalt  }
0x7a: {  	_ =	shalt  }
0x7b: {  	_ =	shalt  }
0x7c: {  	_ =	shalt  }
0x7d: {  	_ =	shalt  }
0x7e: {  	_ =	shalt  }
0x7f: {  	_ =	shalt  }
0x80: {  	_ =	shalt  }
0x81: {  	_ =	shalt  }
0x82: {  	_ =	shalt  }
0x83: {  	_ =	shalt  }
0x84: {  	_ =	shalt  }
0x85: {  	_ =	shalt  }
0x86: {  	_ =	shalt  }
0x87: {  	_ =	shalt  }
.Lfunc_end0:
.L_simem_size_0:
called_computation.2_lowered:
.L_overlay_start_0:
0x88: {  	s2 =	sld [smem:$0x3FD9]  }
0x89: {  	s3 =	sld [smem:$0x3FFE];
	_ =	sdelay $0x1  }
0x8a: {  	s1 =	srdreg.scid  }
0x8b: {  	s0 =	sand.u32 $0x1, s1  }
0x8c: {  	s17 =	sshll.u32 s0, $0xA;
	s2 =	sadd.s32 s3, s2  }
0x8d: {  	s2 =	sadd.s32 s2, s17  }
0x8e: {  	[smem:$0x3FC2] =	sst s2  }
0x8f: {  	_ = 	snop  }
0x90: {  	s2 =	sld [smem:$0x3FD0];
	(tm) =	ssettm $0x1  }
0x91: {  	s18 =	sld [smem:$0x3FFB];
	_ =	sdelay $0x3  }
0x92: {  	_ =	strace s18  }
0x93: {  	s3 =	sld [smem:$0x3FFC];
	_ =	sdelay $0x3  }
0x94: {  	_ =	strace s3  }
0x95: {  	s3 =	sld [smem:$0x3FFD];
	_ =	sdelay $0x3  }
0x96: {  	_ =	strace s3  }
0x97: {  	_ =	strace $0x8FFFFFFF  }
0x98: {  	s19 =	sld [smem:$0x3FDB];
	_ =	sdelay $0x1  }
0x99: {  	s4 =	simm.s32 $_scs_section_size  }
0x9a: {  	s5 =	simm.s32 $_size__tile_overlayer_lowered;
	s6 =	simm.s32 $_tile_overlayer_lowered  }
0x9b: {  	s22 =	simm.s32 $0x1BFF;
	s21 =	sshll.u32 s6, $0x1;
	s3 =	sadd.s32 s4, s19  }
0x9c: {  	s7 =	simm.s32 $0x0;
	s20 =	sshll.u32 s5, $0x1;
	s5 =	sadd.s32 s21, s3  }
0x9d: {  	[timem:s7], [sflag:s22] =	dma.local [hbm:s5], s20  }
0x9e: {  	_ =	swait.ge [sflag:s22], s20  }
0x9f: {  	s4 =	ssub.s32 $0x0, s20;
	[sflag:s22] =	ssyncset.done $0x0  }
0xa0: {  	[sflag:s22] =	ssyncadd.s32 s4;
	_ =	sdelay $0x1  }
0xa1: {  	s23 =	simm.s32 $0x1B8B  }
0xa2: {  	_ =	swait.ge [sflag:s23], $0x1  }
0xa3: {  	[sflag:s23] =	ssyncset.done $0x0  }
0xa4: {  	s25 =	simm.s32 $0x1B8E;
	s24 =	sld [smem:$0x3FFE];
	[sflag:s23] =	ssyncadd.s32 $0xFFFFFFFF  }
0xa5: {  	s26 =	simm.s32 $execute0_lowered;
	[smem:$0x3FD2] =	sst s25  }
0xa6: {  	s5 =	sshll.u32 s26, $0x1;
	_ =	strace $0x8000004C;
	[dreg:$0x1] =	wrdreg $0xFFFFFFFF  }
0xa7: {  	s28 =	simm.s32 $_size_execute0_lowered;
	s3 =	sadd.s32 s3, s5;
	[dreg:$0x0] =	wrdreg $0x0  }
0xa8: {  	s5 =	sshll.u32 s28, $0x1;
	[dreg:$0x2] =	wrdreg s3  }
0xa9: {  	[dreg:$0x3] =	wrdreg s5  }
0xaa: {  	[dreg:$0x4] =	wrdreg $0xC0  }
0xab: {  	_ =	task [dreg:s7], $0x5FFFF  }
0xac: {  	[dreg:$0x1] =	wrdreg $0xFFFFFFFF  }
0xad: {  	[dreg:$0x0] =	wrdreg $0x60  }
0xae: {  	[dreg:$0x2] =	wrdreg s2  }
0xaf: {  	[dreg:$0x3] =	wrdreg s24  }
0xb0: {  	[dreg:$0x4] =	wrdreg $0xB7800  }
0xb1: {  	[dreg:$0x5] =	wrdreg $0x9  }
0xb2: {  	_ =	task.clear_ibuf [dreg:s7], $0x6FFFF;
	_ =	strace $0x9000004C  }
0xb3: {  	s29 =	simm.s32 $0x9;
	_ =	strace $0x8000004E  }
0xb4: {  	_ =	swait.ge [sflag:s29], $0x1  }
0xb5: {  	[sflag:s29] =	ssyncadd.s32 $0xFFFFFFFF  }
0xb6: {  	_ =	strace $0x9000004E  }
0xb7: {  	_ =	sfence  }
0xb8: {  	s30 =	sld [smem:$0x0];
	_ =	sdelay $0x2  }
0xb9: {  	s31 =	sshll.u32 s1, $0xD;
	s1 =	sshrl.u32 s1, $0x2  }
0xba: {  	s3 =	sand.u32 $0x4000, s31;
	s1 =	sadd.s32 s1, s30  }
0xbb: {  	s0 =	sor.u32 s3, s0;
	s1 =	sshll.u32 s1, $0x11  }
0xbc: {  	s0 =	sor.u32 s1, s0  }
0xbd: {  	s0 =	sadd.s32 $0x8F2B, s0  }
0xbe: {  	[sflag:s0] =	ssyncadd.remote.s32 $0x1  }
0xbf: {  	_ =	sfence.sel $0xFFFF  }
0xc0: {  	[dreg:$0x0] =	wrdreg $0xFFFFFFFF;
	(pc) =	sbr.abs _section_cstart, $3  }
0xc1: {  	[dreg:$0x1] =	wrdreg $0xFFFFFFFF  }
0xc2: {  	_ =	task.clear_ibuf [dreg:s7], $0x2FFFF;
	_ =	strace $0x9FFFFFFF  }
0xc3: {  	(tm) =	ssettm $0x7FFFFFFF  }
tec
execute0_lowered:
.L_overlay_start_1:
0x0: {  	(tag) =	ssettag $0x1  }
0x1: {  	s1 =	rddreg [dreg:$0x0]  }
0x2: {  	s0 =	rddreg [dreg:$0x1];
	s2 =	srdreg.scid  }
0x3: {  	s19 =	stileid.u32;
	s3 =	rddreg [dreg:$0x2]  }
0x4: {  	s4 =	simm.s32 $0x0;
	s20 =	simm.s32 $0x6780;
	s21 =	simm.s32 $0x5  }
0x5: {  	s22 =	simm.s32 $0x1;
	s23 =	simm.s32 $0x2;
	s24 =	simm.s32 $0x50  }
0x6: {  	s26 =	simm.s32 $0x8F80;
	s28 =	simm.s32 $0x3;
	s29 =	simm.s32 $0x4  }
0x7: {  	s2 =	sand.u32 $0x1, s2;
	s5 =	sshll.u32 s19, $0x1;
	s7 =	smul.u32 $0x4E000, s19  }
0x8: {  	[smem:$0x7FF] =	sst s4;
	s10 =	smul.u32 $0x13800, s19;
	p0 =	seq.s32 s19, $0xF  }
0x9: {  	s5 =	sor.u32 s2, s5;
	s30 =	ssub.s32 $0x2, s2;
	s2 =	smul.u32 $0x138800, s2  }
0xa: {  	_ =	strace $0x8000004D;
	s6 =	smul.u32 $0x4E2, s5;
	s5 =	sshll.u32 s5, $0xB  }
0xb: {  	s9 =	sshrl.u32 s30, $0x1;
	s7 =	sshrl.u32 s7, $0x2;
	s8 =	sadd.s32 s5, s0  }
0xc: {  	s12 =	ssub.s32 s30, s9;
	s7 =	sadd.s32 s7, s3;
	s31 =	sadd.s32 s10, s2  }
0xd: {  	s2 =	sshrl.u32 s2, $0x3;
	s9 =	sadd.s32 $0x136000, s3;
	s6 =	sadd.s32 s6, s0  }
0xe: {  	s0 =	sadd.s32 $0x26200, s0;
	s10 =	sshrl.u32 s31, $0x3;
	s12 =	smax.u32 s12, $0x1  }
0xf: {  	s13 =	sadd.s32 $0x2800, s7;
	s14 =	sadd.s32 $0x5000, s7;
	s15 =	sadd.s32 $0x7800, s7  }
0x10: {  	s16 =	sadd.s32 $0xA000, s7;
	s17 =	sadd.s32 $0xC800, s7;
	s18 =	sadd.s32 $0xF000, s7  }
0x11: {  	s5 =	sadd.s32 $0xC400, s6;
	s10 =	sadd.s32 s0, s10;
	s0 =	sadd.s32 s0, s2  }
0x12: {  	s6 =	sadd.s32 $0x16200, s8;
	s11 =	sadd.s32 $0x24900, s0;
	s0 =	sadd.s32 $0x124800, s3  }
0x13: {  	v0 =	vimm.f32 $0.0e+00;
	s8 =	sadd.s32 $0x11800, s7;
	s25 =	sshrl.u32 @p0 s0, $0x3;
	s0 =	simm.s32 $0x0  }
.LBB2_1:
0x14: {  	[tilespmem:s4], [sflag:$0x1] =	stream.linear.gather [hbm4b:s5+s4], $0x2710, $0x38;
	[tilespmem:$0x1F000] =	vst v63  }
0x15: {  	s2 =	simm.s32 $0x2780;
	s19 =	simm.s32 $0x70;
	s30 =	simm.s32 $0x3C0  }
0x16: {  	[tilespmem:s2], [sflag:$0x2] =	stream.linear.gather [hbm4b:s6+s4], $0x3E80, $0x38;
	[tilespmem:$0x1F000] =	vst v63  }
.LBB2_2:
0x17: {  	p1 =	sne.s32 s30, $0x9FC0;
	[tilespmem:s19+$0x6780] =	vst v0  }
0x18: {  	[tilespmem:s19+$0x6710] =	vst v0  }
0x19: {  	[tilespmem:s19+$0x6720] =	vst v0  }
.Ltmp0:
0x1a: {  	[tilespmem:s19+$0x6730] =	vst v0;
	(pc) =	sbr.rel @p1 .LBB2_2-.Ltmp0, $4  }
0x1b: {  	[tilespmem:s19+$0x6740] =	vst v0  }
0x1c: {  	[tilespmem:s19+$0x6750] =	vst v0  }
0x1d: {  	[tilespmem:s19+$0x6760] =	vst v0  }
0x1e: {  	[tilespmem:s19+$0x6770] =	vst v0;
	s19 =	sshra.s32 s30, $0x2;
	s30 =	sadd.s32 $0x200, s30  }
0x1f: {  	[tilespmem:s19+$0x6780] =	vst v0  }
0x20: {  	[tilespmem:s19+$0x6710] =	vst v0  }
0x21: {  	[tilespmem:s19+$0x6720] =	vst v0  }
0x22: {  	[tilespmem:s19+$0x6730] =	vst v0  }
0x23: {  	[tilespmem:s19+$0x6740] =	vst v0  }
0x24: {  	[tilespmem:s19+$0x6750] =	vst v0  }
0x25: {  	[tilespmem:s19+$0x6760] =	vst v0  }
0x26: {  	[tilespmem:s19+$0x6770] =	vst v0  }
0x27: {  	[spmem:s7] =	stream.linear.scatter [tilespmem:s20], [sflag:$0x5], $0x2800, $0x38;
	[tilespmem:$0x1F000] =	vst v63  }
0x28: {  	_ =	swait.ge [sflag:s21], $0x2800  }
0x29: {  	[sflag:s21] =	ssyncset.done $0x0  }
0x2a: {  	[sflag:s21] =	ssyncadd.s32 $0xFFFFD800  }
0x2b: {  	[spmem:s13] =	stream.linear.scatter [tilespmem:s20], [sflag:$0x5], $0x2800, $0x38;
	[tilespmem:$0x1F000] =	vst v63  }
0x2c: {  	_ =	swait.ge [sflag:s21], $0x2800  }
0x2d: {  	[sflag:s21] =	ssyncset.done $0x0  }
0x2e: {  	[sflag:s21] =	ssyncadd.s32 $0xFFFFD800  }
0x2f: {  	[spmem:s14] =	stream.linear.scatter [tilespmem:s20], [sflag:$0x5], $0x2800, $0x38;
	[tilespmem:$0x1F000] =	vst v63  }
0x30: {  	_ =	swait.ge [sflag:s21], $0x2800  }
0x31: {  	[sflag:s21] =	ssyncset.done $0x0  }
0x32: {  	[sflag:s21] =	ssyncadd.s32 $0xFFFFD800  }
0x33: {  	[spmem:s15] =	stream.linear.scatter [tilespmem:s20], [sflag:$0x5], $0x2800, $0x38;
	[tilespmem:$0x1F000] =	vst v63  }
0x34: {  	_ =	swait.ge [sflag:s21], $0x2800  }
0x35: {  	[sflag:s21] =	ssyncset.done $0x0  }
0x36: {  	[sflag:s21] =	ssyncadd.s32 $0xFFFFD800  }
0x37: {  	[spmem:s16] =	stream.linear.scatter [tilespmem:s20], [sflag:$0x5], $0x2800, $0x38;
	[tilespmem:$0x1F000] =	vst v63  }
0x38: {  	_ =	swait.ge [sflag:s21], $0x2800  }
0x39: {  	[sflag:s21] =	ssyncset.done $0x0  }
0x3a: {  	[sflag:s21] =	ssyncadd.s32 $0xFFFFD800  }
0x3b: {  	[spmem:s17] =	stream.linear.scatter [tilespmem:s20], [sflag:$0x5], $0x2800, $0x38;
	[tilespmem:$0x1F000] =	vst v63  }
0x3c: {  	_ =	swait.ge [sflag:s21], $0x2800  }
0x3d: {  	[sflag:s21] =	ssyncset.done $0x0  }
0x3e: {  	[sflag:s21] =	ssyncadd.s32 $0xFFFFD800  }
0x3f: {  	[spmem:s18] =	stream.linear.scatter [tilespmem:s20], [sflag:$0x5], $0x2800, $0x38;
	[tilespmem:$0x1F000] =	vst v63  }
0x40: {  	_ =	swait.ge [sflag:s21], $0x2800  }
0x41: {  	[sflag:s21] =	ssyncset.done $0x0  }
0x42: {  	s19 =	simm.s32 @p0 $0x6780;
	[sflag:s21] =	ssyncadd.s32 $0xFFFFD800  }
0x43: {  	[spmem:s9] =	stream.linear.scatter @p0 [tilespmem:s19], [sflag:$0x5], $0x2800, $0x38;
	[tilespmem:$0x1F000] =	vst v63  }
0x44: {  	s19 =	simm.s32 @p0 $0x5  }
0x45: {  	_ =	swait.ge @p0 [sflag:s19], $0x2800  }
0x46: {  	[sflag:s19] =	ssyncset.done @p0 $0x0  }
0x47: {  	[sflag:s19] =	ssyncadd.s32 @p0 $0xFFFFD800;
	s19 =	simm.s32 @!p0 $0x6780  }
0x48: {  	[spmem:s8] =	stream.linear.scatter @!p0 [tilespmem:s19], [sflag:$0x5], $0x2000, $0x38;
	[tilespmem:$0x1F000] =	vst v63  }
0x49: {  	s19 =	simm.s32 @!p0 $0x5  }
0x4a: {  	_ =	swait.ge @!p0 [sflag:s19], $0x2000  }
0x4b: {  	[sflag:s19] =	ssyncset.done @!p0 $0x0  }
0x4c: {  	[sflag:s19] =	ssyncadd.s32 @!p0 $0xFFFFE000  }
0x4d: {  	_ =	swait.ge [sflag:s22], $0x2710  }
0x4e: {  	[sflag:s22] =	ssyncset.done $0x0  }
0x4f: {  	[sflag:s22] =	ssyncadd.s32 $0xFFFFD8F0  }
0x50: {  	_ =	swait.ge [sflag:s23], $0x3E80  }
0x51: {  	[sflag:s23] =	ssyncset.done $0x0  }
0x52: {  	[sflag:s23] =	ssyncadd.s32 $0xFFFFC180  }
0x53: {  	s2 =	simm.s32 $0x0;
	[bflag:$0x0] =	sbarrier.arrive $0xFFFF  }
0x54: {  	[tilespmem:s20], [sflag:$0x1] =	stream.indirect.gather [hbm4b:s1+s24], $0x80, s2, s24, $0xb8;
	[tilespmem:$0x1F000] =	vst v63  }
0x55: {  	_ = 	snop  }
0x56: {  	[tilespmem:s26], [sflag:$0x2] =	stream.indirect.gather [hbm4b:s1+s24], $0x80, s24, s24, $0xb8;
	[tilespmem:$0x1F000] =	vst v63  }
0x57: {  	_ =	swait.ge [sflag:s22], $0x2800  }
0x58: {  	[sflag:s22] =	ssyncset.done $0x0  }
0x59: {  	s2 =	simm.s32 $0x2780;
	[sflag:s22] =	ssyncadd.s32 $0xFFFFD800  }
0x5a: {  	[spmem:s3] =	stream.indirect.scatter.add.f32 [tilespmem:s20], [sflag:$0x3], $0x80, s2, s24, $0xb8;
	[tilespmem:$0x1F000] =	vst v63  }
0x5b: {  	_ =	swait.ge [sflag:s23], $0x2800  }
0x5c: {  	[sflag:s23] =	ssyncset.done $0x0  }
0x5d: {  	s2 =	simm.s32 $0x2800;
	[sflag:s23] =	ssyncadd.s32 $0xFFFFD800  }
0x5e: {  	[spmem:s3] =	stream.indirect.scatter.add.f32 [tilespmem:s26], [sflag:$0x4], $0x80, s2, s24, $0xb8;
	[tilespmem:$0x1F000] =	vst v63  }
0x5f: {  	_ =	swait.ge [sflag:s28], $0x2800  }
0x60: {  	[sflag:s28] =	ssyncset.done $0x0  }
0x61: {  	s2 =	simm.s32 $0xA0;
	[sflag:s28] =	ssyncadd.s32 $0xFFFFD800  }
0x62: {  	[tilespmem:s20], [sflag:$0x1] =	stream.indirect.gather [hbm4b:s1+s24], $0x80, s2, s24, $0xb8;
	[tilespmem:$0x1F000] =	vst v63  }
0x63: {  	_ =	swait.ge [sflag:s29], $0x2800  }
0x64: {  	s30 =	simm.s32 $0x400;
	[sflag:s29] =	ssyncset.done $0x0  }
0x65: {  	s31 =	simm.s32 $0xF0;
	s19 =	simm.s32 $0x140;
	[sflag:s29] =	ssyncadd.s32 $0xFFFFD800  }
.LBB2_4:
0x66: {  	[tilespmem:s26], [sflag:$0x2] =	stream.indirect.gather [hbm4b:s1+s24], $0x80, s31, s24, $0xb8;
	[tilespmem:$0x1F000] =	vst v63  }
0x67: {  	s31 =	smov.u32 s30  }
0x68: {  	p1 =	sne.s32 s30, $0xF000;
	s30 =	sadd.s32 $0x400, s30;
	_ =	swait.ge [sflag:s22], $0x2800  }
0x69: {  	s31 =	sshra.s32 s31, $0x2;
	[sflag:s22] =	ssyncset.done $0x0  }
0x6a: {  	s2 =	sadd.s32 $0x2780, s31;
	[sflag:s22] =	ssyncadd.s32 $0xFFFFD800  }
0x6b: {  	[spmem:s3] =	stream.indirect.scatter.add.f32 [tilespmem:s20], [sflag:$0x3], $0x80, s2, s24, $0xb8;
	[tilespmem:$0x1F000] =	vst v63  }
0x6c: {  	_ =	swait.ge [sflag:s23], $0x2800  }
0x6d: {  	[sflag:s23] =	ssyncset.done $0x0  }
0x6e: {  	s2 =	sadd.s32 $0x2800, s31;
	[sflag:s23] =	ssyncadd.s32 $0xFFFFD800  }
0x6f: {  	[spmem:s3] =	stream.indirect.scatter.add.f32 [tilespmem:s26], [sflag:$0x4], $0x80, s2, s24, $0xb8;
	[tilespmem:$0x1F000] =	vst v63  }
0x70: {  	_ =	swait.ge [sflag:s28], $0x2800  }
0x71: {  	[sflag:s28] =	ssyncset.done $0x0  }
.Ltmp1:
0x72: {  	[sflag:s28] =	ssyncadd.s32 $0xFFFFD800;
	(pc) =	sbr.rel @p1 .LBB2_4-.Ltmp1, $4  }
0x73: {  	[tilespmem:s20], [sflag:$0x1] =	stream.indirect.gather [hbm4b:s1+s24], $0x80, s19, s24, $0xb8;
	[tilespmem:$0x1F000] =	vst v63  }
0x74: {  	_ =	swait.ge [sflag:s29], $0x2800  }
0x75: {  	[sflag:s29] =	ssyncset.done $0x0  }
0x76: {  	s31 =	sadd.s32 $0x50, s19;
	s19 =	sadd.s32 $0xA0, s19;
	[sflag:s29] =	ssyncadd.s32 $0xFFFFD800  }
0x77: {  	[tilespmem:s26], [sflag:$0x2] =	stream.indirect.gather [hbm4b:s1+s24], $0x80, s31, s24, $0xb8;
	[tilespmem:$0x1F000] =	vst v63  }
0x78: {  	_ =	swait.ge [sflag:s22], $0x2800  }
0x79: {  	[sflag:s22] =	ssyncset.done $0x0  }
0x7a: {  	s2 =	simm.s32 $0x6480;
	[sflag:s22] =	ssyncadd.s32 $0xFFFFD800  }
0x7b: {  	[spmem:s3] =	stream.indirect.scatter.add.f32 [tilespmem:s20], [sflag:$0x3], $0x80, s2, s24, $0xb8;
	[tilespmem:$0x1F000] =	vst v63  }
0x7c: {  	_ =	swait.ge [sflag:s23], $0x2800  }
0x7d: {  	[sflag:s23] =	ssyncset.done $0x0  }
0x7e: {  	s30 =	simm.s32 $0x6500;
	[sflag:s23] =	ssyncadd.s32 $0xFFFFD800  }
0x7f: {  	[spmem:s3] =	stream.indirect.scatter.add.f32 [tilespmem:s26], [sflag:$0x4], $0x80, s30, s24, $0xb8;
	[tilespmem:$0x1F000] =	vst v63  }
0x80: {  	_ =	swait.ge [sflag:s28], $0x2800  }
0x81: {  	[sflag:s28] =	ssyncset.done $0x0  }
0x82: {  	[sflag:s28] =	ssyncadd.s32 $0xFFFFD800  }
0x83: {  	[tilespmem:s20], [sflag:$0x1] =	stream.indirect.gather [hbm4b:s1+s24], $0x80, s19, s24, $0xb8;
	[tilespmem:$0x1F000] =	vst v63  }
0x84: {  	_ =	swait.ge [sflag:s29], $0x2800  }
0x85: {  	[sflag:s29] =	ssyncset.done $0x0  }
0x86: {  	[sflag:s29] =	ssyncadd.s32 $0xFFFFD800  }
0x87: {  	_ =	swait.ge [sflag:s22], $0x2800  }
0x88: {  	[sflag:s22] =	ssyncset.done $0x0  }
0x89: {  	s31 =	simm.s32 $0x6580;
	[sflag:s22] =	ssyncadd.s32 $0xFFFFD800  }
0x8a: {  	[spmem:s3] =	stream.indirect.scatter.add.f32 [tilespmem:s20], [sflag:$0x3], $0x80, s31, s24, $0xb8;
	[tilespmem:$0x1F000] =	vst v63  }
0x8b: {  	_ =	swait.ge [sflag:s28], $0x2800  }
0x8c: {  	[sflag:s28] =	ssyncset.done $0x0  }
0x8d: {  	[sflag:s28] =	ssyncadd.s32 $0xFFFFD800  }
0x8e: {  	s2 =	simm.s32 @p0 $0x1FC5;
	[bflag:$0x0] =	sbarrier.arrive $0xFFFF  }
0x8f: {  	[hbm:s11], [sflag:s2] =	dma.local @p0 [spmem:s25], $0x2800  }
0x90: {  	s2 =	simm.s32 @p0 $0x5  }
0x91: {  	s0 =	sadd.s32 $0x1, s0;
	s19 =	stileid.u32;
	_ =	swait.ge @p0 [sflag:s2], $0x2800  }
0x92: {  	p1 =	sne.s32 s0, s12;
	s19 =	sshll.u32 @!p0 s19, $0x6;
	[sflag:s2] =	ssyncset.done @p0 $0x0  }
0x93: {  	[sflag:s2] =	ssyncadd.s32 @p0 $0xFFFFD800;
	s2 =	sor.u32 @!p0 $0x1C05, s19;
	s19 =	sshrl.u32 @!p0 s7, $0x3  }
0x94: {  	[hbm:s10], [sflag:s2] =	dma.local @!p0 [spmem:s19], $0x2700  }
.Ltmp2:
0x95: {  	_ = 	snop;
	(pc) =	sbr.rel @p1 .LBB2_1-.Ltmp2, $4  }
0x96: {  	s2 =	simm.s32 @!p0 $0x5  }
0x97: {  	_ =	swait.ge @!p0 [sflag:s2], $0x2700  }
0x98: {  	[sflag:s2] =	ssyncset.done @!p0 $0x0  }
0x99: {  	[sflag:s2] =	ssyncadd.s32 @!p0 $0xFFFFD900  }
0x9a: {  	_ =	sfence.sel $0x180000  }
0x9b: {  	[bflag:$0x0] =	sbarrier.arrive $0xFFFF  }
0x9c: {  	_ =	strace $0x9000004D  }
0x9d: {  	s0 =	stileid.u32;
	[bflag:$0x2] =	sbarrier.arrive $0xFFFF  }
0x9e: {  	p0 =	sne.s32 s0, $0x0;
	s0 =	rddreg [dreg:$0x3]  }
0x9f: {  	s0 =	sadd.s32 @!p0 $0x100000, s0  }
0xa0: {  	[sflag:s0] =	ssyncadd.tile.s32 @!p0 $0x1;
	_ =	shalt  }
.Lfunc_end2:
_tile_overlayer_lowered:
.L_overlay_start_2:
0xa1: {  	(tag) =	ssettag $0x2  }
0xa2: {  	s0 =	rddreg [dreg:$0x0];
	s2 =	stileid.u32  }
0xa3: {  	s1 =	rddreg [dreg:$0x1];
	p0 =	sne.s32 s2, $0x0  }
0xa4: {  	s3 =	rddreg [dreg:$0x2];
	[bflag:$0x3] =	sbarrier.arrive $0xFFFF;
	s2 =	simm.s32 @!p0 $0x1C05  }
0xa5: {  	[timem:s3], [sflag:s2] =	dma.local @!p0 [hbm:s0], s1  }
0xa6: {  	s0 =	simm.s32 @!p0 $0x5  }
0xa7: {  	_ =	swait.ge @!p0 [sflag:s0], s1  }
0xa8: {  	s1 =	ssub.s32 @!p0 $0x0, s1;
	[sflag:s0] =	ssyncset.done @!p0 $0x0  }
0xa9: {  	[sflag:s0] =	ssyncadd.s32 @!p0 s1  }
0xaa: {  	[bflag:$0x3] =	sbarrier.arrive $0xFFFF  }
0xab: {  	_ =	shalt  }

// kernel: kernel.9.cloned.1.call-start
scs
__scs_entry_jumppad:
0x0: {  	(pc) =	sbr.rel $0x88, $3  }
0x1: {  	(tag) =	ssettag $0x0;
	lr =	simm.s32 $0x1  }
0x2: {  	[smem:$0x3F9B] =	sst lr;
	_ =	strace $0xD0000000  }
0x3: {  	_ = 	snop  }
0x4: {  	_ = 	snop  }
0x5: {  	_ = 	snop  }
0x6: {  	_ = 	snop  }
0x7: {  	_ = 	snop  }
__scs_overlays_trampoline_lowered:
0x8: {  	[smem:$0x3FAA] =	sst s0  }
0x9: {  	[smem:$0x3FAB] =	sst s1  }
0xa: {  	[smem:$0x3FAC] =	sst s2  }
0xb: {  	[smem:$0x3FAD] =	sst s3  }
0xc: {  	[smem:$0x3FAE] =	sst s4  }
0xd: {  	[smem:$0x3FAF] =	sst s5  }
0xe: {  	[smem:$0x3FB0] =	sst s6  }
0xf: {  	[smem:$0x3FB1] =	sst s7  }
0x10: {  	[smem:$0x3FB2] =	sst s8  }
0x11: {  	[smem:$0x3FB3] =	sst s9;
	s0 =	simm.s32 @!p0 $0x0  }
0x12: {  	s1 =	sld [smem:$0x3F99];
	s0 =	simm.s32 @p0 $0x1  }
0x13: {  	[smem:$0x3FB4] =	sst s0;
	s0 =	simm.s32 @!p1 $0x0  }
0x14: {  	s2 =	sld [smem:$0x3F98];
	s0 =	simm.s32 @p1 $0x1  }
0x15: {  	[smem:$0x3FB5] =	sst s0;
	s0 =	simm.s32 @!p2 $0x0  }
0x16: {  	s3 =	sld [smem:$0x3FDB];
	s0 =	simm.s32 @p2 $0x1  }
0x17: {  	s4 =	simm.s32 $0x1BF5;
	[smem:$0x3FB7] =	sst s0  }
0x18: {  	s0 =	sld [smem:$0x3F9A];
	_ =	swait.ge [sflag:s4], $0x0  }
0x19: {  	s7 =	sld [smem:$0x3F9B]  }
0x1a: {  	s8 =	sadd.s32 $0xFFFFE003, lr  }
0x1b: {  	s9 =	sadd.s32 $0xFFFFFEF7, lr;
	s5 =	simm.s32 $0xFFFFFFFF;
	p2 =	slt.u32 s8, $0xFFFFF086  }
0x1c: {  	p1 =	slt.u32 s9, $0xF7A;
	s5 =	simm.s32 @!p2 $0x0  }
0x1d: {  	s5 =	simm.s32 @p1 $0x1;
	p0 =	seq.s32 s7, s2  }
0x1e: {  	s7 =	smul.u32 @!p0 $0xF7A, s2;
	p2 =	seq.s32 @!p0 s5, $0x0  }
0x1f: {  	s9 =	smul.u32 $0xF7A, s1;
	s8 =	simm.s32 @!p0 $0x1BF5;
	p2 =	por !p2, p0  }
0x20: {  	[sflag:s8] =	ssyncset.s32 @!p0 $0xFFFFF086;
	s6 =	sadd.s32 @!p0 s3, s7;
	s7 =	simm.s32 @!p0 $0x108  }
0x21: {  	s3 =	sadd.s32 s3, s9;
	s6 =	sadd.s32 @!p0 $0x88, s6;
	s7 =	simm.s32 @p2 $0x1082  }
0x22: {  	[simem:s7], [sflag:s8] =	dma.local @!p0 [hbm:s6], $0xF7A  }
0x23: {  	s9 =	sor.u32 $0xD0000000, s2;
	s6 =	simm.s32 $0x108;
	_ =	swait.ge @!p0 [sflag:s8], $0x0  }
0x24: {  	s3 =	sadd.s32 $0x88, s3;
	s6 =	simm.s32 @!p1 $0x1082;
	[sflag:s4] =	ssyncset.s32 $0xFFFFF086  }
0x25: {  	[simem:s6], [sflag:s4] =	dma.local [hbm:s3], $0xF7A  }
0x26: {  	[smem:$0x3F9B] =	sst s1;
	(tag) =	ssettag s2;
	_ =	strace s9  }
0x27: {  	s1 =	sld [smem:$0x3FAB]  }
0x28: {  	s2 =	sld [smem:$0x3FAC]  }
0x29: {  	s4 =	sld [smem:$0x3FAE]  }
0x2a: {  	p0 =	seq.s32 s5, $0x0;
	s5 =	sld [smem:$0x3FAF]  }
0x2b: {  	s6 =	sld [smem:$0x3FB0]  }
0x2c: {  	s7 =	sld [smem:$0x3FB1]  }
0x2d: {  	s3 =	simm.s32 $0x108;
	s8 =	sld [smem:$0x3FB2]  }
0x2e: {  	s3 =	simm.s32 @!p0 $0x1082;
	s9 =	sld [smem:$0x3FB3]  }
0x2f: {  	lr =	sadd.s32 s0, s3;
	s0 =	sld [smem:$0x3FAA]  }
0x30: {  	s3 =	sld [smem:$0x3FAD]  }
0x31: {  	[smem:$0x3FB6] =	sst s10  }
0x32: {  	s10 =	sld [smem:$0x3FB4];
	_ =	sdelay $0x3  }
0x33: {  	p0 =	seq.s32 s10, $0x1;
	s10 =	sld [smem:$0x3FB6];
	_ =	sdelay $0x3  }
0x34: {  	[smem:$0x3FB6] =	sst s10  }
0x35: {  	s10 =	sld [smem:$0x3FB5];
	_ =	sdelay $0x3  }
0x36: {  	p1 =	seq.s32 s10, $0x1;
	s10 =	sld [smem:$0x3FB6];
	_ =	sdelay $0x3  }
0x37: {  	[smem:$0x3FB6] =	sst s10  }
0x38: {  	s10 =	sld [smem:$0x3FB7]  }
0x39: {  	_ = 	snop;
	(pc) =	sbr.ind lr, $3  }
0x3a: {  	_ = 	snop  }
0x3b: {  	_ = 	snop  }
0x3c: {  	p2 =	seq.s32 s10, $0x1;
	s10 =	sld [smem:$0x3FB6]  }
0x3d: {  	_ =	shalt  }
0x3e: {  	_ =	shalt  }
0x3f: {  	_ =	shalt  }
0x40: {  	_ =	shalt  }
0x41: {  	_ =	shalt  }
0x42: {  	_ =	shalt  }
0x43: {  	_ =	shalt  }
0x44: {  	_ =	shalt  }
0x45: {  	_ =	shalt  }
0x46: {  	_ =	shalt  }
0x47: {  	_ =	shalt  }
0x48: {  	_ =	shalt  }
0x49: {  	_ =	shalt  }
0x4a: {  	_ =	shalt  }
0x4b: {  	_ =	shalt  }
0x4c: {  	_ =	shalt  }
0x4d: {  	_ =	shalt  }
0x4e: {  	_ =	shalt  }
0x4f: {  	_ =	shalt  }
0x50: {  	_ =	shalt  }
0x51: {  	_ =	shalt  }
0x52: {  	_ =	shalt  }
0x53: {  	_ =	shalt  }
0x54: {  	_ =	shalt  }
0x55: {  	_ =	shalt  }
0x56: {  	_ =	shalt  }
0x57: {  	_ =	shalt  }
0x58: {  	_ =	shalt  }
0x59: {  	_ =	shalt  }
0x5a: {  	_ =	shalt  }
0x5b: {  	_ =	shalt  }
0x5c: {  	_ =	shalt  }
0x5d: {  	_ =	shalt  }
0x5e: {  	_ =	shalt  }
0x5f: {  	_ =	shalt  }
0x60: {  	_ =	shalt  }
0x61: {  	_ =	shalt  }
0x62: {  	_ =	shalt  }
0x63: {  	_ =	shalt  }
0x64: {  	_ =	shalt  }
0x65: {  	_ =	shalt  }
0x66: {  	_ =	shalt  }
0x67: {  	_ =	shalt  }
0x68: {  	_ =	shalt  }
0x69: {  	_ =	shalt  }
0x6a: {  	_ =	shalt  }
0x6b: {  	_ =	shalt  }
0x6c: {  	_ =	shalt  }
0x6d: {  	_ =	shalt  }
0x6e: {  	_ =	shalt  }
0x6f: {  	_ =	shalt  }
0x70: {  	_ =	shalt  }
0x71: {  	_ =	shalt  }
0x72: {  	_ =	shalt  }
0x73: {  	_ =	shalt  }
0x74: {  	_ =	shalt  }
0x75: {  	_ =	shalt  }
0x76: {  	_ =	shalt  }
0x77: {  	_ =	shalt  }
0x78: {  	_ =	shalt  }
0x79: {  	_ =	shalt  }
0x7a: {  	_ =	shalt  }
0x7b: {  	_ =	shalt  }
0x7c: {  	_ =	shalt  }
0x7d: {  	_ =	shalt  }
0x7e: {  	_ =	shalt  }
0x7f: {  	_ =	shalt  }
0x80: {  	_ =	shalt  }
0x81: {  	_ =	shalt  }
0x82: {  	_ =	shalt  }
0x83: {  	_ =	shalt  }
0x84: {  	_ =	shalt  }
0x85: {  	_ =	shalt  }
0x86: {  	_ =	shalt  }
0x87: {  	_ =	shalt  }
.Lfunc_end0:
.L_simem_size_0:
called_computation_lowered:
.L_overlay_start_0:
0x88: {  	s2 =	sld [smem:$0x3FD9]  }
0x89: {  	s3 =	sld [smem:$0x3FFE];
	_ =	sdelay $0x1  }
0x8a: {  	s1 =	srdreg.scid  }
0x8b: {  	s0 =	sand.u32 $0x1, s1  }
0x8c: {  	s17 =	sshll.u32 s0, $0xA;
	s2 =	sadd.s32 s3, s2  }
0x8d: {  	s2 =	sadd.s32 s2, s17  }
0x8e: {  	[smem:$0x3FC2] =	sst s2  }
0x8f: {  	_ = 	snop  }
0x90: {  	s2 =	sld [smem:$0x3FD0];
	(tm) =	ssettm $0x1  }
0x91: {  	s18 =	sld [smem:$0x3FFB];
	_ =	sdelay $0x3  }
0x92: {  	_ =	strace s18  }
0x93: {  	s3 =	sld [smem:$0x3FFC];
	_ =	sdelay $0x3  }
0x94: {  	_ =	strace s3  }
0x95: {  	s3 =	sld [smem:$0x3FFD];
	_ =	sdelay $0x3  }
0x96: {  	_ =	strace s3  }
0x97: {  	_ =	strace $0x8FFFFFFF  }
0x98: {  	s19 =	sld [smem:$0x3FDB];
	_ =	sdelay $0x1  }
0x99: {  	s4 =	simm.s32 $_scs_section_size  }
0x9a: {  	s5 =	simm.s32 $_size__tile_overlayer_lowered;
	s6 =	simm.s32 $_tile_overlayer_lowered  }
0x9b: {  	s22 =	simm.s32 $0x1BFF;
	s21 =	sshll.u32 s6, $0x1;
	s3 =	sadd.s32 s4, s19  }
0x9c: {  	s7 =	simm.s32 $0x0;
	s20 =	sshll.u32 s5, $0x1;
	s5 =	sadd.s32 s21, s3  }
0x9d: {  	[timem:s7], [sflag:s22] =	dma.local [hbm:s5], s20  }
0x9e: {  	_ =	swait.ge [sflag:s22], s20  }
0x9f: {  	s4 =	ssub.s32 $0x0, s20;
	[sflag:s22] =	ssyncset.done $0x0  }
0xa0: {  	[sflag:s22] =	ssyncadd.s32 s4;
	_ =	sdelay $0x1  }
0xa1: {  	s23 =	simm.s32 $0x1B8B  }
0xa2: {  	_ =	swait.ge [sflag:s23], $0x1  }
0xa3: {  	[sflag:s23] =	ssyncset.done $0x0  }
0xa4: {  	s25 =	simm.s32 $0x1B8E;
	s24 =	sld [smem:$0x3FFE];
	[sflag:s23] =	ssyncadd.s32 $0xFFFFFFFF  }
0xa5: {  	s26 =	simm.s32 $execute0_lowered;
	[smem:$0x3FD2] =	sst s25  }
0xa6: {  	s5 =	sshll.u32 s26, $0x1;
	_ =	strace $0x80000046;
	[dreg:$0x1] =	wrdreg $0xFFFFFFFF  }
0xa7: {  	s28 =	simm.s32 $_size_execute0_lowered;
	s3 =	sadd.s32 s3, s5;
	[dreg:$0x0] =	wrdreg $0x0  }
0xa8: {  	s5 =	sshll.u32 s28, $0x1;
	[dreg:$0x2] =	wrdreg s3  }
0xa9: {  	[dreg:$0x3] =	wrdreg s5  }
0xaa: {  	[dreg:$0x4] =	wrdreg $0xC0  }
0xab: {  	_ =	task [dreg:s7], $0x5FFFF  }
0xac: {  	[dreg:$0x1] =	wrdreg $0xFFFFFFFF  }
0xad: {  	[dreg:$0x0] =	wrdreg $0x60  }
0xae: {  	[dreg:$0x2] =	wrdreg s24  }
0xaf: {  	[dreg:$0x3] =	wrdreg s2  }
0xb0: {  	[dreg:$0x4] =	wrdreg $0x9  }
0xb1: {  	_ =	task.clear_ibuf [dreg:s7], $0x5FFFF;
	_ =	strace $0x90000046  }
0xb2: {  	s29 =	simm.s32 $0x9;
	_ =	strace $0x80000048  }
0xb3: {  	_ =	swait.ge [sflag:s29], $0x1  }
0xb4: {  	[sflag:s29] =	ssyncadd.s32 $0xFFFFFFFF  }
0xb5: {  	_ =	strace $0x90000048  }
0xb6: {  	_ =	sfence  }
0xb7: {  	s30 =	sld [smem:$0x0];
	_ =	sdelay $0x2  }
0xb8: {  	s31 =	sshll.u32 s1, $0xD;
	s1 =	sshrl.u32 s1, $0x2  }
0xb9: {  	s3 =	sand.u32 $0x4000, s31;
	s1 =	sadd.s32 s1, s30  }
0xba: {  	s0 =	sor.u32 s3, s0;
	s1 =	sshll.u32 s1, $0x11  }
0xbb: {  	s0 =	sor.u32 s1, s0  }
0xbc: {  	s0 =	sadd.s32 $0x8F2B, s0  }
0xbd: {  	[sflag:s0] =	ssyncadd.remote.s32 $0x1  }
0xbe: {  	_ =	sfence.sel $0xFFFF  }
0xbf: {  	[dreg:$0x0] =	wrdreg $0xFFFFFFFF;
	(pc) =	sbr.abs _section_cstart, $3  }
0xc0: {  	[dreg:$0x1] =	wrdreg $0xFFFFFFFF  }
0xc1: {  	_ =	task.clear_ibuf [dreg:s7], $0x2FFFF;
	_ =	strace $0x9FFFFFFF  }
0xc2: {  	(tm) =	ssettm $0x7FFFFFFF  }
0xc3: {  	_ =	shalt  }
tec
execute0_lowered:
.L_overlay_start_1:
0x0: {  	(tag) =	ssettag $0x1  }
0x1: {  	s3 =	rddreg [dreg:$0x0]  }
0x2: {  	s4 =	rddreg [dreg:$0x1]  }
0x3: {  	s2 =	srdreg.scid;
	s1 =	stileid.u32  }
0x4: {  	s0 =	rddreg [dreg:$0x2];
	s10 =	simm.s32 $0x1;
	s11 =	simm.s32 $0x800  }
0x5: {  	s12 =	simm.s32 $0x80;
	s5 =	sand.u32 $0x1, s2;
	s6 =	sshll.u32 s1, $0x1  }
0x6: {  	s13 =	simm.s32 $0x400;
	s7 =	sshrl.u32 s1, $0x2;
	s6 =	sor.u32 s5, s6  }
0x7: {  	s2 =	simm.s32 $0x0;
	s7 =	smul.u32 $0x13C00, s7;
	s8 =	sshll.u32 s6, $0x7  }
0x8: {  	[smem:$0x7FF] =	sst s2;
	s6 =	smul.u32 $0x2710, s6;
	s8 =	sand.u32 $0x380, s8  }
0x9: {  	s5 =	ssub.s32 $0x2, s5;
	_ =	strace $0x80000047;
	s7 =	sor.u32 s7, s8  }
0xa: {  	s9 =	sshrl.u32 s5, $0x1;
	s6 =	sshrl.u32 s6, $0x3;
	s7 =	sshrl.u32 s7, $0x3  }
0xb: {  	s5 =	ssub.s32 s5, s9;
	s31 =	sadd.s32 s6, s3;
	s3 =	sadd.s32 s4, s7  }
0xc: {  	s4 =	smax.u32 s5, $0x1;
	s5 =	sadd.s32 $0x2600, s31;
	s6 =	sadd.s32 $0x26FA, s31  }
0xd: {  	v0 =	vimm.f32 $0.0e+00;
	v1 =	vimm.f32 $1.000000000e+00;
	s7 =	sadd.s32 $0x27F4, s31;
	s8 =	sadd.s32 $0x28EE, s31;
	s9 =	sadd.s32 $0x29E8, s31  }
.LBB2_1:
0xe: {  	s14 =	simm.s32 $0x40;
	s15 =	simm.s32 $0x0  }
.LBB2_2:
0xf: {  	p0 =	sne.s32 s14, $0x9C00;
	[tilespmem:s15+$0x800] =	vst v0;
	s15 =	smov.u32 s14;
	s14 =	sadd.s32 $0x40, s14  }
.Ltmp0:
0x10: {  	(pc) =	sbr.rel @p0 .LBB2_2-.Ltmp0, $2  }
0x11: {  	_ =	sdelay $0x2  }
0x12: {  	s15 =	sshra.s32 s15, $0x2  }
0x13: {  	[tilespmem:s15+$0x800] =	vst v0;
	s14 =	simm.s32 $0x0  }
0x14: {  	[tilespmem:s14], [sflag:$0x1] =	stream.linear.gather [hbm4b:s5+s14], $0x7D0, $0x38;
	[tilespmem:$0x2F80] =	vst v63  }
0x15: {  	_ =	swait.ge [sflag:s10], $0x7D0  }
0x16: {  	[sflag:s10] =	ssyncset.done $0x0  }
0x17: {  	s15 =	simm.s32 $0x0;
	s14 =	simm.s32 $0x40;
	[sflag:s10] =	ssyncadd.s32 $0xFFFFF830  }
.LBB2_4:
0x18: {  	p0 =	sne.s32 s14, $0x1F00;
	v2 =	vld [tilespmem:s15+$0x0];
	_ =	sdelay $0x3  }
.Ltmp1:
0x19: {  	(pc) =	sbr.rel @p0 .LBB2_4-.Ltmp1, $2  }
0x1a: {  	_ =	sdelay $0x2  }
0x1b: {  	s15 =	sshra.s32 s14, $0x2;
	s14 =	sadd.s32 $0x40, s14;
	[tilespmem:v2+s11+$0x0] =	vst.idx.add.f32.msk $0xffff, v1  }
0x1c: {  	v2 =	vld [tilespmem:s15+$0x0];
	_ =	sdelay $0x7  }
0x1d: {  	s14 =	simm.s32 $0x0;
	[tilespmem:v2+s11+$0x0] =	vst.idx.add.f32.msk $0xffff, v1  }
0x1e: {  	[tilespmem:s14], [sflag:$0x1] =	stream.linear.gather [hbm4b:s6+s14], $0x7D0, $0x38;
	[tilespmem:$0x2F80] =	vst v63  }
0x1f: {  	_ =	swait.ge [sflag:s10], $0x7D0  }
0x20: {  	[sflag:s10] =	ssyncset.done $0x0  }
0x21: {  	s15 =	simm.s32 $0x0;
	s14 =	simm.s32 $0x40;
	[sflag:s10] =	ssyncadd.s32 $0xFFFFF830  }
.LBB2_6:
0x22: {  	p0 =	sne.s32 s14, $0x1F00;
	v2 =	vld [tilespmem:s15+$0x0];
	_ =	sdelay $0x3  }
.Ltmp2:
0x23: {  	(pc) =	sbr.rel @p0 .LBB2_6-.Ltmp2, $2  }
0x24: {  	_ =	sdelay $0x2  }
0x25: {  	s15 =	sshra.s32 s14, $0x2;
	s14 =	sadd.s32 $0x40, s14;
	[tilespmem:v2+s11+$0x0] =	vst.idx.add.f32.msk $0xffff, v1  }
0x26: {  	v2 =	vld [tilespmem:s15+$0x0];
	_ =	sdelay $0x7  }
0x27: {  	s14 =	simm.s32 $0x0;
	[tilespmem:v2+s11+$0x0] =	vst.idx.add.f32.msk $0xffff, v1  }
0x28: {  	[tilespmem:s14], [sflag:$0x1] =	stream.linear.gather [hbm4b:s7+s14], $0x7D0, $0x38;
	[tilespmem:$0x2F80] =	vst v63  }
0x29: {  	_ =	swait.ge [sflag:s10], $0x7D0  }
0x2a: {  	[sflag:s10] =	ssyncset.done $0x0  }
0x2b: {  	s15 =	simm.s32 $0x0;
	s14 =	simm.s32 $0x40;
	[sflag:s10] =	ssyncadd.s32 $0xFFFFF830  }
.LBB2_8:
0x2c: {  	p0 =	sne.s32 s14, $0x1F00;
	v2 =	vld [tilespmem:s15+$0x0];
	_ =	sdelay $0x3  }
.Ltmp3:
0x2d: {  	(pc) =	sbr.rel @p0 .LBB2_8-.Ltmp3, $2  }
0x2e: {  	_ =	sdelay $0x2  }
0x2f: {  	s15 =	sshra.s32 s14, $0x2;
	s14 =	sadd.s32 $0x40, s14;
	[tilespmem:v2+s11+$0x0] =	vst.idx.add.f32.msk $0xffff, v1  }
0x30: {  	v2 =	vld [tilespmem:s15+$0x0];
	_ =	sdelay $0x7  }
0x31: {  	s14 =	simm.s32 $0x0;
	[tilespmem:v2+s11+$0x0] =	vst.idx.add.f32.msk $0xffff, v1  }
0x32: {  	[tilespmem:s14], [sflag:$0x1] =	stream.linear.gather [hbm4b:s8+s14], $0x7D0, $0x38;
	[tilespmem:$0x2F80] =	vst v63  }
0x33: {  	_ =	swait.ge [sflag:s10], $0x7D0  }
0x34: {  	[sflag:s10] =	ssyncset.done $0x0  }
0x35: {  	s15 =	simm.s32 $0x0;
	s14 =	simm.s32 $0x40;
	[sflag:s10] =	ssyncadd.s32 $0xFFFFF830  }
.LBB2_10:
0x36: {  	p0 =	sne.s32 s14, $0x1F00;
	v2 =	vld [tilespmem:s15+$0x0];
	_ =	sdelay $0x3  }
.Ltmp4:
0x37: {  	(pc) =	sbr.rel @p0 .LBB2_10-.Ltmp4, $2  }
0x38: {  	_ =	sdelay $0x2  }
0x39: {  	s15 =	sshra.s32 s14, $0x2;
	s14 =	sadd.s32 $0x40, s14;
	[tilespmem:v2+s11+$0x0] =	vst.idx.add.f32.msk $0xffff, v1  }
0x3a: {  	v2 =	vld [tilespmem:s15+$0x0];
	_ =	sdelay $0x7  }
0x3b: {  	s14 =	simm.s32 $0x0;
	[tilespmem:v2+s11+$0x0] =	vst.idx.add.f32.msk $0xffff, v1  }
0x3c: {  	[tilespmem:s14], [sflag:$0x1] =	stream.linear.gather [hbm4b:s9+s14], $0x7D0, $0x38;
	[tilespmem:$0x2F80] =	vst v63  }
0x3d: {  	_ =	swait.ge [sflag:s10], $0x7D0  }
0x3e: {  	[sflag:s10] =	ssyncset.done $0x0  }
0x3f: {  	s15 =	simm.s32 $0x0;
	s14 =	simm.s32 $0x40;
	[sflag:s10] =	ssyncadd.s32 $0xFFFFF830  }
.LBB2_12:
0x40: {  	p0 =	sne.s32 s14, $0x1F00;
	v2 =	vld [tilespmem:s15+$0x0];
	_ =	sdelay $0x3  }
.Ltmp5:
0x41: {  	(pc) =	sbr.rel @p0 .LBB2_12-.Ltmp5, $2  }
0x42: {  	_ =	sdelay $0x2  }
0x43: {  	s15 =	sshra.s32 s14, $0x2;
	s14 =	sadd.s32 $0x40, s14;
	[tilespmem:v2+s11+$0x0] =	vst.idx.add.f32.msk $0xffff, v1  }
0x44: {  	v2 =	vld [tilespmem:s15+$0x0];
	_ =	sdelay $0x5  }
0x45: {  	s2 =	sadd.s32 $0x1, s2  }
0x46: {  	p0 =	sne.s32 s2, s4  }
.Ltmp6:
0x47: {  	[tilespmem:v2+s11+$0x0] =	vst.idx.add.f32.msk $0xffff, v1;
	(pc) =	sbr.rel @p0 .LBB2_1-.Ltmp6, $4  }
0x48: {  	[hbm4b:s3+s12] =	stream.strided.scatter [tilespmem:s11], [sflag:$0x1], $0x2780, s13, s12, $0x38;
	[tilespmem:$0x2F80] =	vst v63  }
0x49: {  	_ =	swait.ge [sflag:s10], $0x2780  }
0x4a: {  	[sflag:s10] =	ssyncset.done $0x0  }
0x4b: {  	[sflag:s10] =	ssyncadd.s32 $0xFFFFD880  }
0x4c: {  	_ =	sfence.sel $0x180000  }
0x4d: {  	[bflag:$0x0] =	sbarrier.arrive $0xFFFF  }
0x4e: {  	p0 =	sne.s32 s1, $0x0;
	_ =	strace $0x90000047  }
0x4f: {  	s0 =	sadd.s32 @!p0 $0x100000, s0;
	[bflag:$0x2] =	sbarrier.arrive $0xFFFF  }
0x50: {  	[sflag:s0] =	ssyncadd.tile.s32 @!p0 $0x1;
	_ =	shalt  }
.Lfunc_end2:
_tile_overlayer_lowered:
.L_overlay_start_2:
0x51: {  	(tag) =	ssettag $0x2  }
0x52: {  	s0 =	rddreg [dreg:$0x0];
	s2 =	stileid.u32  }
0x53: {  	s1 =	rddreg [dreg:$0x1];
	p0 =	sne.s32 s2, $0x0  }
0x54: {  	s3 =	rddreg [dreg:$0x2];
	[bflag:$0x3] =	sbarrier.arrive $0xFFFF;
	s2 =	simm.s32 @!p0 $0x1C01  }
0x55: {  	[timem:s3], [sflag:s2] =	dma.local @!p0 [hbm:s0], s1  }
0x56: {  	s0 =	simm.s32 @!p0 $0x1  }
0x57: {  	_ =	swait.ge @!p0 [sflag:s0], s1  }
0x58: {  	s1 =	ssub.s32 @!p0 $0x0, s1;
	[sflag:s0] =	ssyncset.done @!p0 $0x0  }
0x59: {  	[sflag:s0] =	ssyncadd.s32 @!p0 s1  }
0x5a: {  	[bflag:$0x3] =	sbarrier.arrive $0xFFFF  }
0x5b: {  	_ =	shalt  }

</sc_bundles>
